<compile_context>
chip_gen: v7x
topology: tpu7x:2x2x1
jax: 0.10.2.dev20260603
libtpu: 0.0.44.dev20260713+nightly
codegen_flags: <defaults>
</compile_context>

<pallas_src>
import functools

import jax
import jax.numpy as jnp
from jax import lax
from jax.experimental import pallas as pl
from jax.experimental.pallas import tpu as pltpu
from jax.experimental.pallas import tpu_sc as plsc

B = 16384
L = 200
NW = 32
ROWS_PER_TILE = B // NW
CH = 128
NCHUNK = ROWS_PER_TILE // CH
G = CH // 16
UNROLL = 8


def _sc_embed_pool_linear(ids, tbl_flat, wb):
    mesh = plsc.VectorSubcoreMesh(core_axis_name="c", subcore_axis_name="s")
    out_sds = jax.ShapeDtypeStruct((B,), jnp.float32)

    @functools.partial(
        pl.kernel,
        mesh=mesh,
        out_type=(out_sds, out_sds, out_sds),
        compiler_params=pltpu.CompilerParams(needs_layout_passes=False),
        scratch_types=[
            pltpu.VMEM((CH, L), jnp.int32),
            pltpu.VMEM((CH, L), jnp.int32),
            pltpu.VMEM((2 * CH,), jnp.float32),
            pltpu.VMEM((2 * CH,), jnp.float32),
            pltpu.VMEM((2 * CH,), jnp.float32),
            pltpu.VMEM((1024,), jnp.float32),
            pltpu.VMEM((432,), jnp.float32),
            pltpu.VMEM((2048,), jnp.float32),
            pltpu.VMEM((2048,), jnp.float32),
            pltpu.VMEM((2048,), jnp.float32),
            pltpu.SemaphoreType.DMA,
            pltpu.SemaphoreType.DMA,
            pltpu.SemaphoreType.DMA,
            pltpu.SemaphoreType.DMA,
        ],
    )
    def body(ids_hbm, tbl_hbm, wb_hbm, o0_hbm, o1_hbm, o2_hbm,
             ids_a, ids_b, ov0, ov1, ov2, tbl_v, wb_v, m0, m1, m2,
             sia, sib, soa, sob):
        wid = lax.axis_index("s") * 2 + lax.axis_index("c")
        iota = jnp.arange(16, dtype=jnp.int32)

        pltpu.sync_copy(tbl_hbm, tbl_v)
        pltpu.sync_copy(wb_hbm, wb_v)

        wvec = [[wb_v[pl.ds((d * 3 + c) * 16, 16)]
                 for c in range(3)] for d in range(8)]
        bvec = [wb_v[pl.ds((24 + c) * 16, 16)] for c in range(3)]
        inv_l = jnp.float32(1.0 / L)
        dnums = lax.GatherDimensionNumbers(
            offset_dims=(), collapsed_slice_dims=(0,), start_index_map=(0,))

        def fold_chunk(k, _):
            vb = (iota + k * 16) * 8
            acc = [jnp.zeros((16,), jnp.float32) for _ in range(3)]
            for d in range(8):
                col = plsc.load_gather(tbl_v, [vb + d])
                for c in range(3):
                    acc[c] = acc[c] + col * wvec[d][c]
            mvs = [(acc[c] + bvec[c]) * inv_l for c in range(3)]
            m_refs = (m0, m1, m2)

            def rep_one(j, _):
                jv = jnp.broadcast_to(j.astype(jnp.int32), (16, 1))
                for c in range(3):
                    bj = lax.gather(
                        mvs[c], jv, dnums, (1,),
                        mode=lax.GatherScatterMode.PROMISE_IN_BOUNDS)
                    m_refs[c][pl.ds((k * 16 + j) * 16, 16)] = bj
                return 0

            lax.fori_loop(0, 16, rep_one, 0)
            return 0

        lax.fori_loop(0, 7, fold_chunk, 0)

        zero = jnp.zeros((16,), jnp.float32)
        row0 = wid * ROWS_PER_TILE
        ids_bufs = (ids_a, ids_b)
        ids_sems = (sia, sib)
        out_sems = (soa, sob)
        o_hbms = (o0_hbm, o1_hbm, o2_hbm)
        o_vs = (ov0, ov1, ov2)

        def start_ids(ch):
            return pltpu.async_copy(
                ids_hbm.at[pl.ds(row0 + ch * CH, CH), :],
                ids_bufs[ch % 2], ids_sems[ch % 2])

        handles = {0: start_ids(0)}
        out_handles = {}
        c0 = iota * 5
        for ch in range(NCHUNK):
            handles[ch].wait()
            if ch + 1 < NCHUNK:
                handles[ch + 1] = start_ids(ch + 1)
            ids_v = ids_bufs[ch % 2]
            par = ch % 2
            if ch - 2 in out_handles:
                for h in out_handles[ch - 2]:
                    h.wait()

            def group(g, _, ids_v=ids_v, par=par):
                rows = g * 16 + iota

                @plsc.parallel_loop(0, L, unroll=UNROLL,
                                    carry=(zero, zero, zero))
                def step(l, carry):
                    a0, a1, a2 = carry
                    raw = c0 + l
                    col = jnp.where(raw < L, raw, raw - L)
                    ids16 = plsc.load_gather(ids_v, [rows, col])
                    mi = ids16 * 16 + iota
                    a0 = a0 + plsc.load_gather(m0, [mi])
                    a1 = a1 + plsc.load_gather(m1, [mi])
                    a2 = a2 + plsc.load_gather(m2, [mi])
                    return (a0, a1, a2)

                a0, a1, a2 = step
                for c, a in ((0, a0), (1, a1), (2, a2)):
                    o_vs[c][pl.ds(par * CH + g * 16, 16)] = a
                return 0

            lax.fori_loop(0, G, group, 0)
            out_handles[ch] = tuple(
                pltpu.async_copy(
                    o_vs[c].at[pl.ds(par * CH, CH)],
                    o_hbms[c].at[pl.ds(row0 + ch * CH, CH)],
                    out_sems[par])
                for c in range(3))
        for ch in (NCHUNK - 2, NCHUNK - 1):
            for h in out_handles[ch]:
                h.wait()

    return body(ids, tbl_flat, wb)


def kernel(input_ids, attention_mask, embed_table, fc_W, fc_b):
    del attention_mask
    ids = input_ids.astype(jnp.int32)
    tbl_flat = jnp.pad(embed_table.astype(jnp.float32),
                       ((0, 28), (0, 0))).reshape(-1)
    wvals = jnp.concatenate([
        fc_W.astype(jnp.float32).reshape(-1),
        fc_b.astype(jnp.float32),
    ])
    wb = jnp.broadcast_to(wvals[:, None], (27, 16)).reshape(-1)
    o0, o1, o2 = _sc_embed_pool_linear(ids, tbl_flat, wb)
    return jnp.stack([o0, o1, o2], axis=-1)

# --- scband reference (transcript-rebuilt; emitter-appended) ---
"""Pipeline reference for scband-toy-model-16612933501241 (READ-ONLY COPY).

The authoritative reference and input builder live on the scoring server;
editing this copy changes nothing except your own understanding.
"""

import jax, jax.numpy as jnp
import numpy as np


def setup_inputs(seed: int = 0) -> dict:
    key = jax.random.key(seed)
    k_ids, k_emb, k_w, k_b = jax.random.split(key, 4)
    input_ids = jax.random.randint(k_ids, (16384, 200), 0, 100, dtype=jnp.int64 if jax.config.jax_enable_x64 else jnp.int32)
    attention_mask = jnp.ones((16384, 200), dtype=input_ids.dtype)
    embed_table = jax.random.normal(k_emb, (100, 8), dtype=jnp.float32)
    fc_W = jax.random.normal(k_w, (8, 3), dtype=jnp.float32) * (1.0 / np.sqrt(8))
    fc_b = jax.random.normal(k_b, (3,), dtype=jnp.float32) * 0.01
    return {"input_ids": input_ids, "attention_mask": attention_mask, "embed_table": embed_table, "fc_W": fc_W, "fc_b": fc_b}


def reference(input_ids, attention_mask, embed_table, fc_W, fc_b):
    # embed lookup: gather rows of embed_table  -> [B, L, 8]
    emb = jnp.take(embed_table, input_ids, axis=0)
    # mean over sequence dim (attention_mask unused, matching the torch module)
    pooled = emb.mean(axis=1)  # [B, 8]
    # linear layer
    out = pooled @ fc_W + fc_b  # [B, 3]
    return out

if __name__ == "__main__":
    import jax
    _d = setup_inputs()
    print(jax.jit(kernel)(*tuple(_d.values())))

</pallas_src>

<mosaic_0001>
#map = affine_map<(d0, d1) -> (0, 0)>
#map1 = affine_map<(d0, d1) -> (0)>
module attributes {stable_mosaic.version = 14 : i64} {
  func.func @body(%arg0: i32, %arg1: i32, %arg2: memref<16384x200xi32, #tpu.memory_space<hbm>>, %arg3: memref<1024xf32, #tpu.memory_space<hbm>>, %arg4: memref<432xf32, #tpu.memory_space<hbm>>, %arg5: memref<16384xf32, #tpu.memory_space<hbm>>, %arg6: memref<16384xf32, #tpu.memory_space<hbm>>, %arg7: memref<16384xf32, #tpu.memory_space<hbm>>, %arg8: memref<128x200xi32, #tpu.memory_space<vmem>>, %arg9: memref<128x200xi32, #tpu.memory_space<vmem>>, %arg10: memref<256xf32, #tpu.memory_space<vmem>>, %arg11: memref<256xf32, #tpu.memory_space<vmem>>, %arg12: memref<256xf32, #tpu.memory_space<vmem>>, %arg13: memref<1024xf32, #tpu.memory_space<vmem>>, %arg14: memref<432xf32, #tpu.memory_space<vmem>>, %arg15: memref<2048xf32, #tpu.memory_space<vmem>>, %arg16: memref<2048xf32, #tpu.memory_space<vmem>>, %arg17: memref<2048xf32, #tpu.memory_space<vmem>>, %arg18: memref<!tpu.dma_semaphore, #tpu.memory_space<semaphore_mem>>, %arg19: memref<!tpu.dma_semaphore, #tpu.memory_space<semaphore_mem>>, %arg20: memref<!tpu.dma_semaphore, #tpu.memory_space<semaphore_mem>>, %arg21: memref<!tpu.dma_semaphore, #tpu.memory_space<semaphore_mem>>) attributes {dimension_semantics = [#tpu.dimension_semantics<core_parallel>, #tpu.dimension_semantics<subcore_parallel>], iteration_bounds = array<i64: 2, 16>, scalar_prefetch = 0 : i64, scratch_operands = 14 : i64, tpu.core_type = #tpu.core_type<sc_vector_subcore>, window_params = [{transform_indices = #map}, {transform_indices = #map1}, {transform_indices = #map1}, {transform_indices = #map1}, {transform_indices = #map1}, {transform_indices = #map1}]} {
    %mul3A = arith.constant 2 : i32
    %mul3A_0 = arith.muli %arg1, %mul3A : i32
    %add3A = arith.addi %mul3A_0, %arg0 : i32
    %iota3A = tpu.iota {dimensions = array<i32: 0>} : vector<16xi32>
    "tpu.region"() ({
      %run_scoped3A = tpu.sem_alloc : memref<!tpu.dma_semaphore, #tpu.memory_space<semaphore_mem>>
      tpu.enqueue_dma source(%arg3 : memref<1024xf32, #tpu.memory_space<hbm>>) target(%arg13 : memref<1024xf32, #tpu.memory_space<vmem>>) target_semaphore(%run_scoped3A : memref<!tpu.dma_semaphore, #tpu.memory_space<semaphore_mem>>)
      tpu.wait_dma2 semaphore(%run_scoped3A : memref<!tpu.dma_semaphore, #tpu.memory_space<semaphore_mem>>) src(%arg3 : memref<1024xf32, #tpu.memory_space<hbm>>) dst(%arg13 : memref<1024xf32, #tpu.memory_space<vmem>>)
      tpu.yield
    }) : () -> ()
    "tpu.region"() ({
      %run_scoped3A = tpu.sem_alloc : memref<!tpu.dma_semaphore, #tpu.memory_space<semaphore_mem>>
      tpu.enqueue_dma source(%arg4 : memref<432xf32, #tpu.memory_space<hbm>>) target(%arg14 : memref<432xf32, #tpu.memory_space<vmem>>) target_semaphore(%run_scoped3A : memref<!tpu.dma_semaphore, #tpu.memory_space<semaphore_mem>>)
      tpu.wait_dma2 semaphore(%run_scoped3A : memref<!tpu.dma_semaphore, #tpu.memory_space<semaphore_mem>>) src(%arg4 : memref<432xf32, #tpu.memory_space<hbm>>) dst(%arg14 : memref<432xf32, #tpu.memory_space<vmem>>)
      tpu.yield
    }) : () -> ()
    %get3A = arith.constant 0 : index
    %get3A_1 = tpu.vector_load %arg14[%get3A] {strides = array<i32>} : memref<432xf32, #tpu.memory_space<vmem>>, vector<16xf32>,
    %get3A_2 = arith.constant 16 : index
    %get3A_3 = tpu.vector_load %arg14[%get3A_2] {strides = array<i32>} : memref<432xf32, #tpu.memory_space<vmem>>, vector<16xf32>,
    %get3A_4 = arith.constant 32 : index
    %get3A_5 = tpu.vector_load %arg14[%get3A_4] {strides = array<i32>} : memref<432xf32, #tpu.memory_space<vmem>>, vector<16xf32>,
    %get3A_6 = arith.constant 48 : index
    %get3A_7 = tpu.vector_load %arg14[%get3A_6] {strides = array<i32>} : memref<432xf32, #tpu.memory_space<vmem>>, vector<16xf32>,
    %get3A_8 = arith.constant 64 : index
    %get3A_9 = tpu.vector_load %arg14[%get3A_8] {strides = array<i32>} : memref<432xf32, #tpu.memory_space<vmem>>, vector<16xf32>,
    %get3A_10 = arith.constant 80 : index
    %get3A_11 = tpu.vector_load %arg14[%get3A_10] {strides = array<i32>} : memref<432xf32, #tpu.memory_space<vmem>>, vector<16xf32>,
    %get3A_12 = arith.constant 96 : index
    %get3A_13 = tpu.vector_load %arg14[%get3A_12] {strides = array<i32>} : memref<432xf32, #tpu.memory_space<vmem>>, vector<16xf32>,
    %get3A_14 = arith.constant 112 : index
    %get3A_15 = tpu.vector_load %arg14[%get3A_14] {strides = array<i32>} : memref<432xf32, #tpu.memory_space<vmem>>, vector<16xf32>,
    %get3A_16 = arith.constant 128 : index
    %get3A_17 = tpu.vector_load %arg14[%get3A_16] {strides = array<i32>} : memref<432xf32, #tpu.memory_space<vmem>>, vector<16xf32>,
    %get3A_18 = arith.constant 144 : index
    %get3A_19 = tpu.vector_load %arg14[%get3A_18] {strides = array<i32>} : memref<432xf32, #tpu.memory_space<vmem>>, vector<16xf32>,
    %get3A_20 = arith.constant 160 : index
    %get3A_21 = tpu.vector_load %arg14[%get3A_20] {strides = array<i32>} : memref<432xf32, #tpu.memory_space<vmem>>, vector<16xf32>,
    %get3A_22 = arith.constant 176 : index
    %get3A_23 = tpu.vector_load %arg14[%get3A_22] {strides = array<i32>} : memref<432xf32, #tpu.memory_space<vmem>>, vector<16xf32>,
    %get3A_24 = arith.constant 192 : index
    %get3A_25 = tpu.vector_load %arg14[%get3A_24] {strides = array<i32>} : memref<432xf32, #tpu.memory_space<vmem>>, vector<16xf32>,
    %get3A_26 = arith.constant 208 : index
    %get3A_27 = tpu.vector_load %arg14[%get3A_26] {strides = array<i32>} : memref<432xf32, #tpu.memory_space<vmem>>, vector<16xf32>,
    %get3A_28 = arith.constant 224 : index
    %get3A_29 = tpu.vector_load %arg14[%get3A_28] {strides = array<i32>} : memref<432xf32, #tpu.memory_space<vmem>>, vector<16xf32>,
    %get3A_30 = arith.constant 240 : index
    %get3A_31 = tpu.vector_load %arg14[%get3A_30] {strides = array<i32>} : memref<432xf32, #tpu.memory_space<vmem>>, vector<16xf32>,
    %get3A_32 = arith.constant 256 : index
    %get3A_33 = tpu.vector_load %arg14[%get3A_32] {strides = array<i32>} : memref<432xf32, #tpu.memory_space<vmem>>, vector<16xf32>,
    %get3A_34 = arith.constant 272 : index
    %get3A_35 = tpu.vector_load %arg14[%get3A_34] {strides = array<i32>} : memref<432xf32, #tpu.memory_space<vmem>>, vector<16xf32>,
    %get3A_36 = arith.constant 288 : index
    %get3A_37 = tpu.vector_load %arg14[%get3A_36] {strides = array<i32>} : memref<432xf32, #tpu.memory_space<vmem>>, vector<16xf32>,
    %get3A_38 = arith.constant 304 : index
    %get3A_39 = tpu.vector_load %arg14[%get3A_38] {strides = array<i32>} : memref<432xf32, #tpu.memory_space<vmem>>, vector<16xf32>,
    %get3A_40 = arith.constant 320 : index
    %get3A_41 = tpu.vector_load %arg14[%get3A_40] {strides = array<i32>} : memref<432xf32, #tpu.memory_space<vmem>>, vector<16xf32>,
    %get3A_42 = arith.constant 336 : index
    %get3A_43 = tpu.vector_load %arg14[%get3A_42] {strides = array<i32>} : memref<432xf32, #tpu.memory_space<vmem>>, vector<16xf32>,
    %get3A_44 = arith.constant 352 : index
    %get3A_45 = tpu.vector_load %arg14[%get3A_44] {strides = array<i32>} : memref<432xf32, #tpu.memory_space<vmem>>, vector<16xf32>,
    %get3A_46 = arith.constant 368 : index
    %get3A_47 = tpu.vector_load %arg14[%get3A_46] {strides = array<i32>} : memref<432xf32, #tpu.memory_space<vmem>>, vector<16xf32>,
    %get3A_48 = arith.constant 384 : index
    %get3A_49 = tpu.vector_load %arg14[%get3A_48] {strides = array<i32>} : memref<432xf32, #tpu.memory_space<vmem>>, vector<16xf32>,
    %get3A_50 = arith.constant 400 : index
    %get3A_51 = tpu.vector_load %arg14[%get3A_50] {strides = array<i32>} : memref<432xf32, #tpu.memory_space<vmem>>, vector<16xf32>,
    %get3A_52 = arith.constant 416 : index
    %get3A_53 = tpu.vector_load %arg14[%get3A_52] {strides = array<i32>} : memref<432xf32, #tpu.memory_space<vmem>>, vector<16xf32>,
    %scan3A = arith.constant 5.000000e-03 : f32
    %scan3A_54 = arith.constant 0 : i32
    %scan3A_55 = arith.constant 0 : i32
    %scan3A_56 = arith.constant 7 : i32
    %scan3A_57 = arith.addi %scan3A_55, %scan3A_56 : i32
    %scan3A_58 = arith.constant 1 : i32
    %scan3A_59 = scf.for %scan3A_301 = %scan3A_55 to %scan3A_57 step %scan3A_58 iter_args(%scan3A_302 = %scan3A_54) -> (i32)  : i32 {
      %mul3A_303 = arith.constant 16 : i32
      %mul3A_304 = arith.muli %scan3A_301, %mul3A_303 : i32
      %add3A_305 = vector.broadcast %mul3A_304 : i32 to vector<16xi32>
      %add3A_306 = arith.addi %iota3A, %add3A_305 : vector<16xi32>
      %mul3A_307 = arith.constant 8 : i32
      %mul3A_308 = vector.broadcast %mul3A_307 : i32 to vector<16xi32>
      %mul3A_309 = arith.muli %add3A_306, %mul3A_308 : vector<16xi32>
      %broadcast_in_dim3A_310 = arith.constant 0.000000e+00 : f32
      %broadcast_in_dim3A_311 = vector.broadcast %broadcast_in_dim3A_310 : f32 to vector<16xf32>
      %broadcast_in_dim3A_312 = arith.constant 0.000000e+00 : f32
      %broadcast_in_dim3A_313 = vector.broadcast %broadcast_in_dim3A_312 : f32 to vector<16xf32>
      %broadcast_in_dim3A_314 = arith.constant 0.000000e+00 : f32
      %broadcast_in_dim3A_315 = vector.broadcast %broadcast_in_dim3A_314 : f32 to vector<16xf32>
      %add3A_316 = arith.constant 0 : i32
      %add3A_317 = vector.broadcast %add3A_316 : i32 to vector<16xi32>
      %add3A_318 = arith.addi %mul3A_309, %add3A_317 : vector<16xi32>
      %gather3A = tpu.vector_load_idx %arg13[%add3A_318] : memref<1024xf32, #tpu.memory_space<vmem>>[vector<16xi32>], vector<16xf32>,
      %mul3A_319 = arith.mulf %gather3A, %get3A_1 : vector<16xf32>
      %add3A_320 = arith.addf %broadcast_in_dim3A_311, %mul3A_319 : vector<16xf32>
      %mul3A_321 = arith.mulf %gather3A, %get3A_3 : vector<16xf32>
      %add3A_322 = arith.addf %broadcast_in_dim3A_313, %mul3A_321 : vector<16xf32>
      %mul3A_323 = arith.mulf %gather3A, %get3A_5 : vector<16xf32>
      %add3A_324 = arith.addf %broadcast_in_dim3A_315, %mul3A_323 : vector<16xf32>
      %add3A_325 = arith.constant 1 : i32
      %add3A_326 = vector.broadcast %add3A_325 : i32 to vector<16xi32>
      %add3A_327 = arith.addi %mul3A_309, %add3A_326 : vector<16xi32>
      %gather3A_328 = tpu.vector_load_idx %arg13[%add3A_327] : memref<1024xf32, #tpu.memory_space<vmem>>[vector<16xi32>], vector<16xf32>,
      %mul3A_329 = arith.mulf %gather3A_328, %get3A_7 : vector<16xf32>
      %add3A_330 = arith.addf %add3A_320, %mul3A_329 : vector<16xf32>
      %mul3A_331 = arith.mulf %gather3A_328, %get3A_9 : vector<16xf32>
      %add3A_332 = arith.addf %add3A_322, %mul3A_331 : vector<16xf32>
      %mul3A_333 = arith.mulf %gather3A_328, %get3A_11 : vector<16xf32>
      %add3A_334 = arith.addf %add3A_324, %mul3A_333 : vector<16xf32>
      %add3A_335 = arith.constant 2 : i32
      %add3A_336 = vector.broadcast %add3A_335 : i32 to vector<16xi32>
      %add3A_337 = arith.addi %mul3A_309, %add3A_336 : vector<16xi32>
      %gather3A_338 = tpu.vector_load_idx %arg13[%add3A_337] : memref<1024xf32, #tpu.memory_space<vmem>>[vector<16xi32>], vector<16xf32>,
      %mul3A_339 = arith.mulf %gather3A_338, %get3A_13 : vector<16xf32>
      %add3A_340 = arith.addf %add3A_330, %mul3A_339 : vector<16xf32>
      %mul3A_341 = arith.mulf %gather3A_338, %get3A_15 : vector<16xf32>
      %add3A_342 = arith.addf %add3A_332, %mul3A_341 : vector<16xf32>
      %mul3A_343 = arith.mulf %gather3A_338, %get3A_17 : vector<16xf32>
      %add3A_344 = arith.addf %add3A_334, %mul3A_343 : vector<16xf32>
      %add3A_345 = arith.constant 3 : i32
      %add3A_346 = vector.broadcast %add3A_345 : i32 to vector<16xi32>
      %add3A_347 = arith.addi %mul3A_309, %add3A_346 : vector<16xi32>
      %gather3A_348 = tpu.vector_load_idx %arg13[%add3A_347] : memref<1024xf32, #tpu.memory_space<vmem>>[vector<16xi32>], vector<16xf32>,
      %mul3A_349 = arith.mulf %gather3A_348, %get3A_19 : vector<16xf32>
      %add3A_350 = arith.addf %add3A_340, %mul3A_349 : vector<16xf32>
      %mul3A_351 = arith.mulf %gather3A_348, %get3A_21 : vector<16xf32>
      %add3A_352 = arith.addf %add3A_342, %mul3A_351 : vector<16xf32>
      %mul3A_353 = arith.mulf %gather3A_348, %get3A_23 : vector<16xf32>
      %add3A_354 = arith.addf %add3A_344, %mul3A_353 : vector<16xf32>
      %add3A_355 = arith.constant 4 : i32
      %add3A_356 = vector.broadcast %add3A_355 : i32 to vector<16xi32>
      %add3A_357 = arith.addi %mul3A_309, %add3A_356 : vector<16xi32>
      %gather3A_358 = tpu.vector_load_idx %arg13[%add3A_357] : memref<1024xf32, #tpu.memory_space<vmem>>[vector<16xi32>], vector<16xf32>,
      %mul3A_359 = arith.mulf %gather3A_358, %get3A_25 : vector<16xf32>
      %add3A_360 = arith.addf %add3A_350, %mul3A_359 : vector<16xf32>
      %mul3A_361 = arith.mulf %gather3A_358, %get3A_27 : vector<16xf32>
      %add3A_362 = arith.addf %add3A_352, %mul3A_361 : vector<16xf32>
      %mul3A_363 = arith.mulf %gather3A_358, %get3A_29 : vector<16xf32>
      %add3A_364 = arith.addf %add3A_354, %mul3A_363 : vector<16xf32>
      %add3A_365 = arith.constant 5 : i32
      %add3A_366 = vector.broadcast %add3A_365 : i32 to vector<16xi32>
      %add3A_367 = arith.addi %mul3A_309, %add3A_366 : vector<16xi32>
      %gather3A_368 = tpu.vector_load_idx %arg13[%add3A_367] : memref<1024xf32, #tpu.memory_space<vmem>>[vector<16xi32>], vector<16xf32>,
      %mul3A_369 = arith.mulf %gather3A_368, %get3A_31 : vector<16xf32>
      %add3A_370 = arith.addf %add3A_360, %mul3A_369 : vector<16xf32>
      %mul3A_371 = arith.mulf %gather3A_368, %get3A_33 : vector<16xf32>
      %add3A_372 = arith.addf %add3A_362, %mul3A_371 : vector<16xf32>
      %mul3A_373 = arith.mulf %gather3A_368, %get3A_35 : vector<16xf32>
      %add3A_374 = arith.addf %add3A_364, %mul3A_373 : vector<16xf32>
      %add3A_375 = arith.constant 6 : i32
      %add3A_376 = vector.broadcast %add3A_375 : i32 to vector<16xi32>
      %add3A_377 = arith.addi %mul3A_309, %add3A_376 : vector<16xi32>
      %gather3A_378 = tpu.vector_load_idx %arg13[%add3A_377] : memref<1024xf32, #tpu.memory_space<vmem>>[vector<16xi32>], vector<16xf32>,
      %mul3A_379 = arith.mulf %gather3A_378, %get3A_37 : vector<16xf32>
      %add3A_380 = arith.addf %add3A_370, %mul3A_379 : vector<16xf32>
      %mul3A_381 = arith.mulf %gather3A_378, %get3A_39 : vector<16xf32>
      %add3A_382 = arith.addf %add3A_372, %mul3A_381 : vector<16xf32>
      %mul3A_383 = arith.mulf %gather3A_378, %get3A_41 : vector<16xf32>
      %add3A_384 = arith.addf %add3A_374, %mul3A_383 : vector<16xf32>
      %add3A_385 = arith.constant 7 : i32
      %add3A_386 = vector.broadcast %add3A_385 : i32 to vector<16xi32>
      %add3A_387 = arith.addi %mul3A_309, %add3A_386 : vector<16xi32>
      %gather3A_388 = tpu.vector_load_idx %arg13[%add3A_387] : memref<1024xf32, #tpu.memory_space<vmem>>[vector<16xi32>], vector<16xf32>,
      %mul3A_389 = arith.mulf %gather3A_388, %get3A_43 : vector<16xf32>
      %add3A_390 = arith.addf %add3A_380, %mul3A_389 : vector<16xf32>
      %mul3A_391 = arith.mulf %gather3A_388, %get3A_45 : vector<16xf32>
      %add3A_392 = arith.addf %add3A_382, %mul3A_391 : vector<16xf32>
      %mul3A_393 = arith.mulf %gather3A_388, %get3A_47 : vector<16xf32>
      %add3A_394 = arith.addf %add3A_384, %mul3A_393 : vector<16xf32>
      %add3A_395 = arith.addf %add3A_390, %get3A_49 : vector<16xf32>
      %mul3A_396 = vector.broadcast %scan3A : f32 to vector<16xf32>
      %mul3A_397 = arith.mulf %add3A_395, %mul3A_396 : vector<16xf32>
      %add3A_398 = arith.addf %add3A_392, %get3A_51 : vector<16xf32>
      %mul3A_399 = vector.broadcast %scan3A : f32 to vector<16xf32>
      %mul3A_400 = arith.mulf %add3A_398, %mul3A_399 : vector<16xf32>
      %add3A_401 = arith.addf %add3A_394, %get3A_53 : vector<16xf32>
      %mul3A_402 = vector.broadcast %scan3A : f32 to vector<16xf32>
      %mul3A_403 = arith.mulf %add3A_401, %mul3A_402 : vector<16xf32>
      %scan3A_404 = arith.constant 0 : i32
      %scan3A_405 = arith.constant 0 : i32
      %scan3A_406 = arith.constant 16 : i32
      %scan3A_407 = arith.addi %scan3A_405, %scan3A_406 : i32
      %scan3A_408 = arith.constant 1 : i32
      %scan3A_409 = scf.for %scan3A_412 = %scan3A_405 to %scan3A_407 step %scan3A_408 iter_args(%scan3A_413 = %scan3A_404) -> (i32)  : i32 {
        %broadcast_in_dim3A_414 = vector.broadcast %scan3A_412 : i32 to vector<16x1xi32>
        %gather3A_415 = vector.shape_cast %broadcast_in_dim3A_414 : vector<16x1xi32> to vector<16xi32>
        %gather3A_416 = tpu.dynamic_gather %mul3A_397[%gather3A_415] in [0] : vector<16xf32>, vector<16xi32> -> vector<16xf32>
        %mul3A_417 = arith.constant 16 : i32
        %mul3A_418 = arith.muli %scan3A_301, %mul3A_417 : i32
        %add3A_419 = arith.addi %mul3A_418, %scan3A_412 : i32
        %mul3A_420 = arith.constant 16 : i32
        %mul3A_421 = arith.muli %add3A_419, %mul3A_420 : i32
        %swap3A = arith.index_cast %mul3A_421 : i32 to index
        %swap3A_422 = tpu.vector_load %arg15[%swap3A] {strides = array<i32>} : memref<2048xf32, #tpu.memory_space<vmem>>, vector<16xf32>,
        tpu.vector_store %arg15[%swap3A], %gather3A_416 {strides = array<i32>} : memref<2048xf32, #tpu.memory_space<vmem>>, vector<16xf32>,
        %gather3A_423 = vector.shape_cast %broadcast_in_dim3A_414 : vector<16x1xi32> to vector<16xi32>
        %gather3A_424 = tpu.dynamic_gather %mul3A_400[%gather3A_423] in [0] : vector<16xf32>, vector<16xi32> -> vector<16xf32>
        %mul3A_425 = arith.constant 16 : i32
        %mul3A_426 = arith.muli %scan3A_301, %mul3A_425 : i32
        %add3A_427 = arith.addi %mul3A_426, %scan3A_412 : i32
        %mul3A_428 = arith.constant 16 : i32
        %mul3A_429 = arith.muli %add3A_427, %mul3A_428 : i32
        %swap3A_430 = arith.index_cast %mul3A_429 : i32 to index
        %swap3A_431 = tpu.vector_load %arg16[%swap3A_430] {strides = array<i32>} : memref<2048xf32, #tpu.memory_space<vmem>>, vector<16xf32>,
        tpu.vector_store %arg16[%swap3A_430], %gather3A_424 {strides = array<i32>} : memref<2048xf32, #tpu.memory_space<vmem>>, vector<16xf32>,
        %gather3A_432 = vector.shape_cast %broadcast_in_dim3A_414 : vector<16x1xi32> to vector<16xi32>
        %gather3A_433 = tpu.dynamic_gather %mul3A_403[%gather3A_432] in [0] : vector<16xf32>, vector<16xi32> -> vector<16xf32>
        %mul3A_434 = arith.constant 16 : i32
        %mul3A_435 = arith.muli %scan3A_301, %mul3A_434 : i32
        %add3A_436 = arith.addi %mul3A_435, %scan3A_412 : i32
        %mul3A_437 = arith.constant 16 : i32
        %mul3A_438 = arith.muli %add3A_436, %mul3A_437 : i32
        %swap3A_439 = arith.index_cast %mul3A_438 : i32 to index
        %swap3A_440 = tpu.vector_load %arg17[%swap3A_439] {strides = array<i32>} : memref<2048xf32, #tpu.memory_space<vmem>>, vector<16xf32>,
        tpu.vector_store %arg17[%swap3A_439], %gather3A_433 {strides = array<i32>} : memref<2048xf32, #tpu.memory_space<vmem>>, vector<16xf32>,
        %scan3A_441 = arith.constant 0 : i32
        scf.yield %scan3A_441 : i32
      }
      %scan3A_410 = arith.constant 16 : i32
      %scan3A_411 = arith.constant 0 : i32
      scf.yield %scan3A_411 : i32
    }
    %scan3A_60 = arith.constant 7 : i32
    %broadcast_in_dim3A = arith.constant 0.000000e+00 : f32
    %broadcast_in_dim3A_61 = vector.broadcast %broadcast_in_dim3A : f32 to vector<16xf32>
    %mul3A_62 = arith.constant 512 : i32
    %mul3A_63 = arith.muli %add3A, %mul3A_62 : i32
    %add3A_64 = arith.constant 0 : i32
    %add3A_65 = arith.addi %mul3A_63, %add3A_64 : i32
    %dma_start3A = arith.constant 0 : i32
    %dma_start3A_66 = tpu.memref_slice %arg2[%add3A_65, %dma_start3A] : memref<16384x200xi32, #tpu.memory_space<hbm>> -> memref<128x200xi32, #tpu.memory_space<hbm>>
    %dma_start3A_67 = arith.constant 0 : i32
    %dma_start3A_68 = tpu.memref_slice %arg2[%add3A_65, %dma_start3A_67] : memref<16384x200xi32, #tpu.memory_space<hbm>> -> memref<128x200xi32, #tpu.memory_space<hbm>>
    tpu.enqueue_dma source(%dma_start3A_68 : memref<128x200xi32, #tpu.memory_space<hbm>>) target(%arg8 : memref<128x200xi32, #tpu.memory_space<vmem>>) target_semaphore(%arg18 : memref<!tpu.dma_semaphore, #tpu.memory_space<semaphore_mem>>)
    %mul3A_69 = arith.constant 5 : i32
    %mul3A_70 = vector.broadcast %mul3A_69 : i32 to vector<16xi32>
    %mul3A_71 = arith.muli %iota3A, %mul3A_70 : vector<16xi32>
    %dma_wait3A = arith.constant 0 : i32
    %dma_wait3A_72 = tpu.memref_slice %arg2[%add3A_65, %dma_wait3A] : memref<16384x200xi32, #tpu.memory_space<hbm>> -> memref<128x200xi32, #tpu.memory_space<hbm>>
    %dma_wait3A_73 = arith.constant 0 : i32
    %dma_wait3A_74 = tpu.memref_slice %arg2[%add3A_65, %dma_wait3A_73] : memref<16384x200xi32, #tpu.memory_space<hbm>> -> memref<128x200xi32, #tpu.memory_space<hbm>>
    tpu.wait_dma2 semaphore(%arg18 : memref<!tpu.dma_semaphore, #tpu.memory_space<semaphore_mem>>) src(%dma_wait3A_74 : memref<128x200xi32, #tpu.memory_space<hbm>>) dst(%arg8 : memref<128x200xi32, #tpu.memory_space<vmem>>)
    %add3A_75 = arith.constant 128 : i32
    %add3A_76 = arith.addi %mul3A_63, %add3A_75 : i32
    %dma_start3A_77 = arith.constant 0 : i32
    %dma_start3A_78 = tpu.memref_slice %arg2[%add3A_76, %dma_start3A_77] : memref<16384x200xi32, #tpu.memory_space<hbm>> -> memref<128x200xi32, #tpu.memory_space<hbm>>
    %dma_start3A_79 = arith.constant 0 : i32
    %dma_start3A_80 = tpu.memref_slice %arg2[%add3A_76, %dma_start3A_79] : memref<16384x200xi32, #tpu.memory_space<hbm>> -> memref<128x200xi32, #tpu.memory_space<hbm>>
    tpu.enqueue_dma source(%dma_start3A_80 : memref<128x200xi32, #tpu.memory_space<hbm>>) target(%arg9 : memref<128x200xi32, #tpu.memory_space<vmem>>) target_semaphore(%arg19 : memref<!tpu.dma_semaphore, #tpu.memory_space<semaphore_mem>>)
    %scan3A_81 = arith.constant 0 : i32
    %scan3A_82 = arith.constant 0 : i32
    %scan3A_83 = arith.constant 8 : i32
    %scan3A_84 = arith.addi %scan3A_82, %scan3A_83 : i32
    %scan3A_85 = arith.constant 1 : i32
    %scan3A_86 = scf.for %scan3A_301 = %scan3A_82 to %scan3A_84 step %scan3A_85 iter_args(%scan3A_302 = %scan3A_81) -> (i32)  : i32 {
      %mul3A_303 = arith.constant 16 : i32
      %mul3A_304 = arith.muli %scan3A_301, %mul3A_303 : i32
      %add3A_305 = vector.broadcast %mul3A_304 : i32 to vector<16xi32>
      %add3A_306 = arith.addi %add3A_305, %iota3A : vector<16xi32>
      %parallel_loop3A = arith.constant 0 : i32
      %parallel_loop3A_307 = arith.constant 200 : i32
      %parallel_loop3A_308 = arith.constant 1 : i32
      %parallel_loop3A_309:3 = scf.for %parallel_loop3A_328 = %parallel_loop3A to %parallel_loop3A_307 step %parallel_loop3A_308 iter_args(%parallel_loop3A_329 = %broadcast_in_dim3A_61, %parallel_loop3A_330 = %broadcast_in_dim3A_61, %parallel_loop3A_331 = %broadcast_in_dim3A_61) -> (vector<16xf32>, vector<16xf32>, vector<16xf32>)  : i32 {
        %parallel_loop3A_332 = vector.broadcast %parallel_loop3A_328 : i32 to vector<16xi32>
        %parallel_loop3A_333 = arith.addi %mul3A_71, %parallel_loop3A_332 : vector<16xi32>
        %parallel_loop3A_334 = arith.constant 200 : i32
        %parallel_loop3A_335 = vector.broadcast %parallel_loop3A_334 : i32 to vector<16xi32>
        %parallel_loop3A_336 = arith.cmpi slt, %parallel_loop3A_333, %parallel_loop3A_335 : vector<16xi32>
        %parallel_loop3A_337 = arith.constant 200 : i32
        %parallel_loop3A_338 = vector.broadcast %parallel_loop3A_337 : i32 to vector<16xi32>
        %parallel_loop3A_339 = arith.subi %parallel_loop3A_333, %parallel_loop3A_338 : vector<16xi32>
        %parallel_loop3A_340 = arith.select %parallel_loop3A_336, %parallel_loop3A_333, %parallel_loop3A_339 : vector<16xi1>, vector<16xi32>
        %parallel_loop3A_341 = tpu.vector_load_idx %arg8[%add3A_306, %parallel_loop3A_340] : memref<128x200xi32, #tpu.memory_space<vmem>>[vector<16xi32>, vector<16xi32>], vector<16xi32>,
        %parallel_loop3A_342 = arith.constant 16 : i32
        %parallel_loop3A_343 = vector.broadcast %parallel_loop3A_342 : i32 to vector<16xi32>
        %parallel_loop3A_344 = arith.muli %parallel_loop3A_341, %parallel_loop3A_343 : vector<16xi32>
        %parallel_loop3A_345 = arith.addi %parallel_loop3A_344, %iota3A : vector<16xi32>
        %parallel_loop3A_346 = tpu.vector_load_idx %arg15[%parallel_loop3A_345] : memref<2048xf32, #tpu.memory_space<vmem>>[vector<16xi32>], vector<16xf32>,
        %parallel_loop3A_347 = arith.addf %parallel_loop3A_329, %parallel_loop3A_346 : vector<16xf32>
        %parallel_loop3A_348 = tpu.vector_load_idx %arg16[%parallel_loop3A_345] : memref<2048xf32, #tpu.memory_space<vmem>>[vector<16xi32>], vector<16xf32>,
        %parallel_loop3A_349 = arith.addf %parallel_loop3A_330, %parallel_loop3A_348 : vector<16xf32>
        %parallel_loop3A_350 = tpu.vector_load_idx %arg17[%parallel_loop3A_345] : memref<2048xf32, #tpu.memory_space<vmem>>[vector<16xi32>], vector<16xf32>,
        %parallel_loop3A_351 = arith.addf %parallel_loop3A_331, %parallel_loop3A_350 : vector<16xf32>
        scf.yield %parallel_loop3A_347, %parallel_loop3A_349, %parallel_loop3A_351 : vector<16xf32>, vector<16xf32>, vector<16xf32>
      } {sc.loop_unroll_factor = 8 : i64, sc.parallel_access}
      %mul3A_310 = arith.constant 16 : i32
      %mul3A_311 = arith.muli %scan3A_301, %mul3A_310 : i32
      %add3A_312 = arith.constant 0 : i32
      %add3A_313 = arith.addi %add3A_312, %mul3A_311 : i32
      %swap3A = arith.index_cast %add3A_313 : i32 to index
      %swap3A_314 = tpu.vector_load %arg10[%swap3A] {strides = array<i32>} : memref<256xf32, #tpu.memory_space<vmem>>, vector<16xf32>,
      tpu.vector_store %arg10[%swap3A], %parallel_loop3A_309#0 {strides = array<i32>} : memref<256xf32, #tpu.memory_space<vmem>>, vector<16xf32>,
      %mul3A_315 = arith.constant 16 : i32
      %mul3A_316 = arith.muli %scan3A_301, %mul3A_315 : i32
      %add3A_317 = arith.constant 0 : i32
      %add3A_318 = arith.addi %add3A_317, %mul3A_316 : i32
      %swap3A_319 = arith.index_cast %add3A_318 : i32 to index
      %swap3A_320 = tpu.vector_load %arg11[%swap3A_319] {strides = array<i32>} : memref<256xf32, #tpu.memory_space<vmem>>, vector<16xf32>,
      tpu.vector_store %arg11[%swap3A_319], %parallel_loop3A_309#1 {strides = array<i32>} : memref<256xf32, #tpu.memory_space<vmem>>, vector<16xf32>,
      %mul3A_321 = arith.constant 16 : i32
      %mul3A_322 = arith.muli %scan3A_301, %mul3A_321 : i32
      %add3A_323 = arith.constant 0 : i32
      %add3A_324 = arith.addi %add3A_323, %mul3A_322 : i32
      %swap3A_325 = arith.index_cast %add3A_324 : i32 to index
      %swap3A_326 = tpu.vector_load %arg12[%swap3A_325] {strides = array<i32>} : memref<256xf32, #tpu.memory_space<vmem>>, vector<16xf32>,
      tpu.vector_store %arg12[%swap3A_325], %parallel_loop3A_309#2 {strides = array<i32>} : memref<256xf32, #tpu.memory_space<vmem>>, vector<16xf32>,
      %scan3A_327 = arith.constant 0 : i32
      scf.yield %scan3A_327 : i32
    }
    %scan3A_87 = arith.constant 8 : i32
    %add3A_88 = arith.constant 0 : i32
    %add3A_89 = arith.addi %mul3A_63, %add3A_88 : i32
    %dma_start3A_90 = arith.constant 0 : i32
    %dma_start3A_91 = tpu.memref_slice %arg10[%dma_start3A_90] : memref<256xf32, #tpu.memory_space<vmem>> -> memref<128xf32, #tpu.memory_space<vmem>>
    %dma_start3A_92 = tpu.memref_slice %arg5[%add3A_89] : memref<16384xf32, #tpu.memory_space<hbm>> -> memref<128xf32, #tpu.memory_space<hbm>>
    %dma_start3A_93 = tpu.memref_slice %arg5[%add3A_89] : memref<16384xf32, #tpu.memory_space<hbm>> -> memref<128xf32, #tpu.memory_space<hbm>>
    %dma_start3A_94 = arith.constant 0 : i32
    %dma_start3A_95 = tpu.memref_slice %arg10[%dma_start3A_94] : memref<256xf32, #tpu.memory_space<vmem>> -> memref<128xf32, #tpu.memory_space<vmem>>
    tpu.enqueue_dma source(%dma_start3A_95 : memref<128xf32, #tpu.memory_space<vmem>>) target(%dma_start3A_93 : memref<128xf32, #tpu.memory_space<hbm>>) target_semaphore(%arg20 : memref<!tpu.dma_semaphore, #tpu.memory_space<semaphore_mem>>)
    %add3A_96 = arith.constant 0 : i32
    %add3A_97 = arith.addi %mul3A_63, %add3A_96 : i32
    %dma_start3A_98 = arith.constant 0 : i32
    %dma_start3A_99 = tpu.memref_slice %arg11[%dma_start3A_98] : memref<256xf32, #tpu.memory_space<vmem>> -> memref<128xf32, #tpu.memory_space<vmem>>
    %dma_start3A_100 = tpu.memref_slice %arg6[%add3A_97] : memref<16384xf32, #tpu.memory_space<hbm>> -> memref<128xf32, #tpu.memory_space<hbm>>
    %dma_start3A_101 = tpu.memref_slice %arg6[%add3A_97] : memref<16384xf32, #tpu.memory_space<hbm>> -> memref<128xf32, #tpu.memory_space<hbm>>
    %dma_start3A_102 = arith.constant 0 : i32
    %dma_start3A_103 = tpu.memref_slice %arg11[%dma_start3A_102] : memref<256xf32, #tpu.memory_space<vmem>> -> memref<128xf32, #tpu.memory_space<vmem>>
    tpu.enqueue_dma source(%dma_start3A_103 : memref<128xf32, #tpu.memory_space<vmem>>) target(%dma_start3A_101 : memref<128xf32, #tpu.memory_space<hbm>>) target_semaphore(%arg20 : memref<!tpu.dma_semaphore, #tpu.memory_space<semaphore_mem>>)
    %add3A_104 = arith.constant 0 : i32
    %add3A_105 = arith.addi %mul3A_63, %add3A_104 : i32
    %dma_start3A_106 = arith.constant 0 : i32
    %dma_start3A_107 = tpu.memref_slice %arg12[%dma_start3A_106] : memref<256xf32, #tpu.memory_space<vmem>> -> memref<128xf32, #tpu.memory_space<vmem>>
    %dma_start3A_108 = tpu.memref_slice %arg7[%add3A_105] : memref<16384xf32, #tpu.memory_space<hbm>> -> memref<128xf32, #tpu.memory_space<hbm>>
    %dma_start3A_109 = tpu.memref_slice %arg7[%add3A_105] : memref<16384xf32, #tpu.memory_space<hbm>> -> memref<128xf32, #tpu.memory_space<hbm>>
    %dma_start3A_110 = arith.constant 0 : i32
    %dma_start3A_111 = tpu.memref_slice %arg12[%dma_start3A_110] : memref<256xf32, #tpu.memory_space<vmem>> -> memref<128xf32, #tpu.memory_space<vmem>>
    tpu.enqueue_dma source(%dma_start3A_111 : memref<128xf32, #tpu.memory_space<vmem>>) target(%dma_start3A_109 : memref<128xf32, #tpu.memory_space<hbm>>) target_semaphore(%arg20 : memref<!tpu.dma_semaphore, #tpu.memory_space<semaphore_mem>>)
    %dma_wait3A_112 = arith.constant 0 : i32
    %dma_wait3A_113 = tpu.memref_slice %arg2[%add3A_76, %dma_wait3A_112] : memref<16384x200xi32, #tpu.memory_space<hbm>> -> memref<128x200xi32, #tpu.memory_space<hbm>>
    %dma_wait3A_114 = arith.constant 0 : i32
    %dma_wait3A_115 = tpu.memref_slice %arg2[%add3A_76, %dma_wait3A_114] : memref<16384x200xi32, #tpu.memory_space<hbm>> -> memref<128x200xi32, #tpu.memory_space<hbm>>
    tpu.wait_dma2 semaphore(%arg19 : memref<!tpu.dma_semaphore, #tpu.memory_space<semaphore_mem>>) src(%dma_wait3A_115 : memref<128x200xi32, #tpu.memory_space<hbm>>) dst(%arg9 : memref<128x200xi32, #tpu.memory_space<vmem>>)
    %add3A_116 = arith.constant 256 : i32
    %add3A_117 = arith.addi %mul3A_63, %add3A_116 : i32
    %dma_start3A_118 = arith.constant 0 : i32
    %dma_start3A_119 = tpu.memref_slice %arg2[%add3A_117, %dma_start3A_118] : memref<16384x200xi32, #tpu.memory_space<hbm>> -> memref<128x200xi32, #tpu.memory_space<hbm>>
    %dma_start3A_120 = arith.constant 0 : i32
    %dma_start3A_121 = tpu.memref_slice %arg2[%add3A_117, %dma_start3A_120] : memref<16384x200xi32, #tpu.memory_space<hbm>> -> memref<128x200xi32, #tpu.memory_space<hbm>>
    tpu.enqueue_dma source(%dma_start3A_121 : memref<128x200xi32, #tpu.memory_space<hbm>>) target(%arg8 : memref<128x200xi32, #tpu.memory_space<vmem>>) target_semaphore(%arg18 : memref<!tpu.dma_semaphore, #tpu.memory_space<semaphore_mem>>)
    %scan3A_122 = arith.constant 0 : i32
    %scan3A_123 = arith.constant 0 : i32
    %scan3A_124 = arith.constant 8 : i32
    %scan3A_125 = arith.addi %scan3A_123, %scan3A_124 : i32
    %scan3A_126 = arith.constant 1 : i32
    %scan3A_127 = scf.for %scan3A_301 = %scan3A_123 to %scan3A_125 step %scan3A_126 iter_args(%scan3A_302 = %scan3A_122) -> (i32)  : i32 {
      %mul3A_303 = arith.constant 16 : i32
      %mul3A_304 = arith.muli %scan3A_301, %mul3A_303 : i32
      %add3A_305 = vector.broadcast %mul3A_304 : i32 to vector<16xi32>
      %add3A_306 = arith.addi %add3A_305, %iota3A : vector<16xi32>
      %parallel_loop3A = arith.constant 0 : i32
      %parallel_loop3A_307 = arith.constant 200 : i32
      %parallel_loop3A_308 = arith.constant 1 : i32
      %parallel_loop3A_309:3 = scf.for %parallel_loop3A_328 = %parallel_loop3A to %parallel_loop3A_307 step %parallel_loop3A_308 iter_args(%parallel_loop3A_329 = %broadcast_in_dim3A_61, %parallel_loop3A_330 = %broadcast_in_dim3A_61, %parallel_loop3A_331 = %broadcast_in_dim3A_61) -> (vector<16xf32>, vector<16xf32>, vector<16xf32>)  : i32 {
        %parallel_loop3A_332 = vector.broadcast %parallel_loop3A_328 : i32 to vector<16xi32>
        %parallel_loop3A_333 = arith.addi %mul3A_71, %parallel_loop3A_332 : vector<16xi32>
        %parallel_loop3A_334 = arith.constant 200 : i32
        %parallel_loop3A_335 = vector.broadcast %parallel_loop3A_334 : i32 to vector<16xi32>
        %parallel_loop3A_336 = arith.cmpi slt, %parallel_loop3A_333, %parallel_loop3A_335 : vector<16xi32>
        %parallel_loop3A_337 = arith.constant 200 : i32
        %parallel_loop3A_338 = vector.broadcast %parallel_loop3A_337 : i32 to vector<16xi32>
        %parallel_loop3A_339 = arith.subi %parallel_loop3A_333, %parallel_loop3A_338 : vector<16xi32>
        %parallel_loop3A_340 = arith.select %parallel_loop3A_336, %parallel_loop3A_333, %parallel_loop3A_339 : vector<16xi1>, vector<16xi32>
        %parallel_loop3A_341 = tpu.vector_load_idx %arg9[%add3A_306, %parallel_loop3A_340] : memref<128x200xi32, #tpu.memory_space<vmem>>[vector<16xi32>, vector<16xi32>], vector<16xi32>,
        %parallel_loop3A_342 = arith.constant 16 : i32
        %parallel_loop3A_343 = vector.broadcast %parallel_loop3A_342 : i32 to vector<16xi32>
        %parallel_loop3A_344 = arith.muli %parallel_loop3A_341, %parallel_loop3A_343 : vector<16xi32>
        %parallel_loop3A_345 = arith.addi %parallel_loop3A_344, %iota3A : vector<16xi32>
        %parallel_loop3A_346 = tpu.vector_load_idx %arg15[%parallel_loop3A_345] : memref<2048xf32, #tpu.memory_space<vmem>>[vector<16xi32>], vector<16xf32>,
        %parallel_loop3A_347 = arith.addf %parallel_loop3A_329, %parallel_loop3A_346 : vector<16xf32>
        %parallel_loop3A_348 = tpu.vector_load_idx %arg16[%parallel_loop3A_345] : memref<2048xf32, #tpu.memory_space<vmem>>[vector<16xi32>], vector<16xf32>,
        %parallel_loop3A_349 = arith.addf %parallel_loop3A_330, %parallel_loop3A_348 : vector<16xf32>
        %parallel_loop3A_350 = tpu.vector_load_idx %arg17[%parallel_loop3A_345] : memref<2048xf32, #tpu.memory_space<vmem>>[vector<16xi32>], vector<16xf32>,
        %parallel_loop3A_351 = arith.addf %parallel_loop3A_331, %parallel_loop3A_350 : vector<16xf32>
        scf.yield %parallel_loop3A_347, %parallel_loop3A_349, %parallel_loop3A_351 : vector<16xf32>, vector<16xf32>, vector<16xf32>
      } {sc.loop_unroll_factor = 8 : i64, sc.parallel_access}
      %mul3A_310 = arith.constant 16 : i32
      %mul3A_311 = arith.muli %scan3A_301, %mul3A_310 : i32
      %add3A_312 = arith.constant 128 : i32
      %add3A_313 = arith.addi %add3A_312, %mul3A_311 : i32
      %swap3A = arith.index_cast %add3A_313 : i32 to index
      %swap3A_314 = tpu.vector_load %arg10[%swap3A] {strides = array<i32>} : memref<256xf32, #tpu.memory_space<vmem>>, vector<16xf32>,
      tpu.vector_store %arg10[%swap3A], %parallel_loop3A_309#0 {strides = array<i32>} : memref<256xf32, #tpu.memory_space<vmem>>, vector<16xf32>,
      %mul3A_315 = arith.constant 16 : i32
      %mul3A_316 = arith.muli %scan3A_301, %mul3A_315 : i32
      %add3A_317 = arith.constant 128 : i32
      %add3A_318 = arith.addi %add3A_317, %mul3A_316 : i32
      %swap3A_319 = arith.index_cast %add3A_318 : i32 to index
      %swap3A_320 = tpu.vector_load %arg11[%swap3A_319] {strides = array<i32>} : memref<256xf32, #tpu.memory_space<vmem>>, vector<16xf32>,
      tpu.vector_store %arg11[%swap3A_319], %parallel_loop3A_309#1 {strides = array<i32>} : memref<256xf32, #tpu.memory_space<vmem>>, vector<16xf32>,
      %mul3A_321 = arith.constant 16 : i32
      %mul3A_322 = arith.muli %scan3A_301, %mul3A_321 : i32
      %add3A_323 = arith.constant 128 : i32
      %add3A_324 = arith.addi %add3A_323, %mul3A_322 : i32
      %swap3A_325 = arith.index_cast %add3A_324 : i32 to index
      %swap3A_326 = tpu.vector_load %arg12[%swap3A_325] {strides = array<i32>} : memref<256xf32, #tpu.memory_space<vmem>>, vector<16xf32>,
      tpu.vector_store %arg12[%swap3A_325], %parallel_loop3A_309#2 {strides = array<i32>} : memref<256xf32, #tpu.memory_space<vmem>>, vector<16xf32>,
      %scan3A_327 = arith.constant 0 : i32
      scf.yield %scan3A_327 : i32
    }
    %scan3A_128 = arith.constant 8 : i32
    %add3A_129 = arith.constant 128 : i32
    %add3A_130 = arith.addi %mul3A_63, %add3A_129 : i32
    %dma_start3A_131 = arith.constant 128 : i32
    %dma_start3A_132 = tpu.memref_slice %arg10[%dma_start3A_131] : memref<256xf32, #tpu.memory_space<vmem>> -> memref<128xf32, #tpu.memory_space<vmem>>
    %dma_start3A_133 = tpu.memref_slice %arg5[%add3A_130] : memref<16384xf32, #tpu.memory_space<hbm>> -> memref<128xf32, #tpu.memory_space<hbm>>
    %dma_start3A_134 = tpu.memref_slice %arg5[%add3A_130] : memref<16384xf32, #tpu.memory_space<hbm>> -> memref<128xf32, #tpu.memory_space<hbm>>
    %dma_start3A_135 = arith.constant 128 : i32
    %dma_start3A_136 = tpu.memref_slice %arg10[%dma_start3A_135] : memref<256xf32, #tpu.memory_space<vmem>> -> memref<128xf32, #tpu.memory_space<vmem>>
    tpu.enqueue_dma source(%dma_start3A_136 : memref<128xf32, #tpu.memory_space<vmem>>) target(%dma_start3A_134 : memref<128xf32, #tpu.memory_space<hbm>>) target_semaphore(%arg21 : memref<!tpu.dma_semaphore, #tpu.memory_space<semaphore_mem>>)
    %add3A_137 = arith.constant 128 : i32
    %add3A_138 = arith.addi %mul3A_63, %add3A_137 : i32
    %dma_start3A_139 = arith.constant 128 : i32
    %dma_start3A_140 = tpu.memref_slice %arg11[%dma_start3A_139] : memref<256xf32, #tpu.memory_space<vmem>> -> memref<128xf32, #tpu.memory_space<vmem>>
    %dma_start3A_141 = tpu.memref_slice %arg6[%add3A_138] : memref<16384xf32, #tpu.memory_space<hbm>> -> memref<128xf32, #tpu.memory_space<hbm>>
    %dma_start3A_142 = tpu.memref_slice %arg6[%add3A_138] : memref<16384xf32, #tpu.memory_space<hbm>> -> memref<128xf32, #tpu.memory_space<hbm>>
    %dma_start3A_143 = arith.constant 128 : i32
    %dma_start3A_144 = tpu.memref_slice %arg11[%dma_start3A_143] : memref<256xf32, #tpu.memory_space<vmem>> -> memref<128xf32, #tpu.memory_space<vmem>>
    tpu.enqueue_dma source(%dma_start3A_144 : memref<128xf32, #tpu.memory_space<vmem>>) target(%dma_start3A_142 : memref<128xf32, #tpu.memory_space<hbm>>) target_semaphore(%arg21 : memref<!tpu.dma_semaphore, #tpu.memory_space<semaphore_mem>>)
    %add3A_145 = arith.constant 128 : i32
    %add3A_146 = arith.addi %mul3A_63, %add3A_145 : i32
    %dma_start3A_147 = arith.constant 128 : i32
    %dma_start3A_148 = tpu.memref_slice %arg12[%dma_start3A_147] : memref<256xf32, #tpu.memory_space<vmem>> -> memref<128xf32, #tpu.memory_space<vmem>>
    %dma_start3A_149 = tpu.memref_slice %arg7[%add3A_146] : memref<16384xf32, #tpu.memory_space<hbm>> -> memref<128xf32, #tpu.memory_space<hbm>>
    %dma_start3A_150 = tpu.memref_slice %arg7[%add3A_146] : memref<16384xf32, #tpu.memory_space<hbm>> -> memref<128xf32, #tpu.memory_space<hbm>>
    %dma_start3A_151 = arith.constant 128 : i32
    %dma_start3A_152 = tpu.memref_slice %arg12[%dma_start3A_151] : memref<256xf32, #tpu.memory_space<vmem>> -> memref<128xf32, #tpu.memory_space<vmem>>
    tpu.enqueue_dma source(%dma_start3A_152 : memref<128xf32, #tpu.memory_space<vmem>>) target(%dma_start3A_150 : memref<128xf32, #tpu.memory_space<hbm>>) target_semaphore(%arg21 : memref<!tpu.dma_semaphore, #tpu.memory_space<semaphore_mem>>)
    %dma_wait3A_153 = arith.constant 0 : i32
    %dma_wait3A_154 = tpu.memref_slice %arg2[%add3A_117, %dma_wait3A_153] : memref<16384x200xi32, #tpu.memory_space<hbm>> -> memref<128x200xi32, #tpu.memory_space<hbm>>
    %dma_wait3A_155 = arith.constant 0 : i32
    %dma_wait3A_156 = tpu.memref_slice %arg2[%add3A_117, %dma_wait3A_155] : memref<16384x200xi32, #tpu.memory_space<hbm>> -> memref<128x200xi32, #tpu.memory_space<hbm>>
    tpu.wait_dma2 semaphore(%arg18 : memref<!tpu.dma_semaphore, #tpu.memory_space<semaphore_mem>>) src(%dma_wait3A_156 : memref<128x200xi32, #tpu.memory_space<hbm>>) dst(%arg8 : memref<128x200xi32, #tpu.memory_space<vmem>>)
    %add3A_157 = arith.constant 384 : i32
    %add3A_158 = arith.addi %mul3A_63, %add3A_157 : i32
    %dma_start3A_159 = arith.constant 0 : i32
    %dma_start3A_160 = tpu.memref_slice %arg2[%add3A_158, %dma_start3A_159] : memref<16384x200xi32, #tpu.memory_space<hbm>> -> memref<128x200xi32, #tpu.memory_space<hbm>>
    %dma_start3A_161 = arith.constant 0 : i32
    %dma_start3A_162 = tpu.memref_slice %arg2[%add3A_158, %dma_start3A_161] : memref<16384x200xi32, #tpu.memory_space<hbm>> -> memref<128x200xi32, #tpu.memory_space<hbm>>
    tpu.enqueue_dma source(%dma_start3A_162 : memref<128x200xi32, #tpu.memory_space<hbm>>) target(%arg9 : memref<128x200xi32, #tpu.memory_space<vmem>>) target_semaphore(%arg19 : memref<!tpu.dma_semaphore, #tpu.memory_space<semaphore_mem>>)
    %dma_wait3A_163 = arith.constant 0 : i32
    %dma_wait3A_164 = tpu.memref_slice %arg10[%dma_wait3A_163] : memref<256xf32, #tpu.memory_space<vmem>> -> memref<128xf32, #tpu.memory_space<vmem>>
    %dma_wait3A_165 = tpu.memref_slice %arg5[%add3A_89] : memref<16384xf32, #tpu.memory_space<hbm>> -> memref<128xf32, #tpu.memory_space<hbm>>
    %dma_wait3A_166 = tpu.memref_slice %arg5[%add3A_89] : memref<16384xf32, #tpu.memory_space<hbm>> -> memref<128xf32, #tpu.memory_space<hbm>>
    %dma_wait3A_167 = arith.constant 0 : i32
    %dma_wait3A_168 = tpu.memref_slice %arg10[%dma_wait3A_167] : memref<256xf32, #tpu.memory_space<vmem>> -> memref<128xf32, #tpu.memory_space<vmem>>
    tpu.wait_dma2 semaphore(%arg20 : memref<!tpu.dma_semaphore, #tpu.memory_space<semaphore_mem>>) src(%dma_wait3A_168 : memref<128xf32, #tpu.memory_space<vmem>>) dst(%dma_wait3A_166 : memref<128xf32, #tpu.memory_space<hbm>>)
    %dma_wait3A_169 = arith.constant 0 : i32
    %dma_wait3A_170 = tpu.memref_slice %arg11[%dma_wait3A_169] : memref<256xf32, #tpu.memory_space<vmem>> -> memref<128xf32, #tpu.memory_space<vmem>>
    %dma_wait3A_171 = tpu.memref_slice %arg6[%add3A_97] : memref<16384xf32, #tpu.memory_space<hbm>> -> memref<128xf32, #tpu.memory_space<hbm>>
    %dma_wait3A_172 = tpu.memref_slice %arg6[%add3A_97] : memref<16384xf32, #tpu.memory_space<hbm>> -> memref<128xf32, #tpu.memory_space<hbm>>
    %dma_wait3A_173 = arith.constant 0 : i32
    %dma_wait3A_174 = tpu.memref_slice %arg11[%dma_wait3A_173] : memref<256xf32, #tpu.memory_space<vmem>> -> memref<128xf32, #tpu.memory_space<vmem>>
    tpu.wait_dma2 semaphore(%arg20 : memref<!tpu.dma_semaphore, #tpu.memory_space<semaphore_mem>>) src(%dma_wait3A_174 : memref<128xf32, #tpu.memory_space<vmem>>) dst(%dma_wait3A_172 : memref<128xf32, #tpu.memory_space<hbm>>)
    %dma_wait3A_175 = arith.constant 0 : i32
    %dma_wait3A_176 = tpu.memref_slice %arg12[%dma_wait3A_175] : memref<256xf32, #tpu.memory_space<vmem>> -> memref<128xf32, #tpu.memory_space<vmem>>
    %dma_wait3A_177 = tpu.memref_slice %arg7[%add3A_105] : memref<16384xf32, #tpu.memory_space<hbm>> -> memref<128xf32, #tpu.memory_space<hbm>>
    %dma_wait3A_178 = tpu.memref_slice %arg7[%add3A_105] : memref<16384xf32, #tpu.memory_space<hbm>> -> memref<128xf32, #tpu.memory_space<hbm>>
    %dma_wait3A_179 = arith.constant 0 : i32
    %dma_wait3A_180 = tpu.memref_slice %arg12[%dma_wait3A_179] : memref<256xf32, #tpu.memory_space<vmem>> -> memref<128xf32, #tpu.memory_space<vmem>>
    tpu.wait_dma2 semaphore(%arg20 : memref<!tpu.dma_semaphore, #tpu.memory_space<semaphore_mem>>) src(%dma_wait3A_180 : memref<128xf32, #tpu.memory_space<vmem>>) dst(%dma_wait3A_178 : memref<128xf32, #tpu.memory_space<hbm>>)
    %scan3A_181 = arith.constant 0 : i32
    %scan3A_182 = arith.constant 0 : i32
    %scan3A_183 = arith.constant 8 : i32
    %scan3A_184 = arith.addi %scan3A_182, %scan3A_183 : i32
    %scan3A_185 = arith.constant 1 : i32
    %scan3A_186 = scf.for %scan3A_301 = %scan3A_182 to %scan3A_184 step %scan3A_185 iter_args(%scan3A_302 = %scan3A_181) -> (i32)  : i32 {
      %mul3A_303 = arith.constant 16 : i32
      %mul3A_304 = arith.muli %scan3A_301, %mul3A_303 : i32
      %add3A_305 = vector.broadcast %mul3A_304 : i32 to vector<16xi32>
      %add3A_306 = arith.addi %add3A_305, %iota3A : vector<16xi32>
      %parallel_loop3A = arith.constant 0 : i32
      %parallel_loop3A_307 = arith.constant 200 : i32
      %parallel_loop3A_308 = arith.constant 1 : i32
      %parallel_loop3A_309:3 = scf.for %parallel_loop3A_328 = %parallel_loop3A to %parallel_loop3A_307 step %parallel_loop3A_308 iter_args(%parallel_loop3A_329 = %broadcast_in_dim3A_61, %parallel_loop3A_330 = %broadcast_in_dim3A_61, %parallel_loop3A_331 = %broadcast_in_dim3A_61) -> (vector<16xf32>, vector<16xf32>, vector<16xf32>)  : i32 {
        %parallel_loop3A_332 = vector.broadcast %parallel_loop3A_328 : i32 to vector<16xi32>
        %parallel_loop3A_333 = arith.addi %mul3A_71, %parallel_loop3A_332 : vector<16xi32>
        %parallel_loop3A_334 = arith.constant 200 : i32
        %parallel_loop3A_335 = vector.broadcast %parallel_loop3A_334 : i32 to vector<16xi32>
        %parallel_loop3A_336 = arith.cmpi slt, %parallel_loop3A_333, %parallel_loop3A_335 : vector<16xi32>
        %parallel_loop3A_337 = arith.constant 200 : i32
        %parallel_loop3A_338 = vector.broadcast %parallel_loop3A_337 : i32 to vector<16xi32>
        %parallel_loop3A_339 = arith.subi %parallel_loop3A_333, %parallel_loop3A_338 : vector<16xi32>
        %parallel_loop3A_340 = arith.select %parallel_loop3A_336, %parallel_loop3A_333, %parallel_loop3A_339 : vector<16xi1>, vector<16xi32>
        %parallel_loop3A_341 = tpu.vector_load_idx %arg8[%add3A_306, %parallel_loop3A_340] : memref<128x200xi32, #tpu.memory_space<vmem>>[vector<16xi32>, vector<16xi32>], vector<16xi32>,
        %parallel_loop3A_342 = arith.constant 16 : i32
        %parallel_loop3A_343 = vector.broadcast %parallel_loop3A_342 : i32 to vector<16xi32>
        %parallel_loop3A_344 = arith.muli %parallel_loop3A_341, %parallel_loop3A_343 : vector<16xi32>
        %parallel_loop3A_345 = arith.addi %parallel_loop3A_344, %iota3A : vector<16xi32>
        %parallel_loop3A_346 = tpu.vector_load_idx %arg15[%parallel_loop3A_345] : memref<2048xf32, #tpu.memory_space<vmem>>[vector<16xi32>], vector<16xf32>,
        %parallel_loop3A_347 = arith.addf %parallel_loop3A_329, %parallel_loop3A_346 : vector<16xf32>
        %parallel_loop3A_348 = tpu.vector_load_idx %arg16[%parallel_loop3A_345] : memref<2048xf32, #tpu.memory_space<vmem>>[vector<16xi32>], vector<16xf32>,
        %parallel_loop3A_349 = arith.addf %parallel_loop3A_330, %parallel_loop3A_348 : vector<16xf32>
        %parallel_loop3A_350 = tpu.vector_load_idx %arg17[%parallel_loop3A_345] : memref<2048xf32, #tpu.memory_space<vmem>>[vector<16xi32>], vector<16xf32>,
        %parallel_loop3A_351 = arith.addf %parallel_loop3A_331, %parallel_loop3A_350 : vector<16xf32>
        scf.yield %parallel_loop3A_347, %parallel_loop3A_349, %parallel_loop3A_351 : vector<16xf32>, vector<16xf32>, vector<16xf32>
      } {sc.loop_unroll_factor = 8 : i64, sc.parallel_access}
      %mul3A_310 = arith.constant 16 : i32
      %mul3A_311 = arith.muli %scan3A_301, %mul3A_310 : i32
      %add3A_312 = arith.constant 0 : i32
      %add3A_313 = arith.addi %add3A_312, %mul3A_311 : i32
      %swap3A = arith.index_cast %add3A_313 : i32 to index
      %swap3A_314 = tpu.vector_load %arg10[%swap3A] {strides = array<i32>} : memref<256xf32, #tpu.memory_space<vmem>>, vector<16xf32>,
      tpu.vector_store %arg10[%swap3A], %parallel_loop3A_309#0 {strides = array<i32>} : memref<256xf32, #tpu.memory_space<vmem>>, vector<16xf32>,
      %mul3A_315 = arith.constant 16 : i32
      %mul3A_316 = arith.muli %scan3A_301, %mul3A_315 : i32
      %add3A_317 = arith.constant 0 : i32
      %add3A_318 = arith.addi %add3A_317, %mul3A_316 : i32
      %swap3A_319 = arith.index_cast %add3A_318 : i32 to index
      %swap3A_320 = tpu.vector_load %arg11[%swap3A_319] {strides = array<i32>} : memref<256xf32, #tpu.memory_space<vmem>>, vector<16xf32>,
      tpu.vector_store %arg11[%swap3A_319], %parallel_loop3A_309#1 {strides = array<i32>} : memref<256xf32, #tpu.memory_space<vmem>>, vector<16xf32>,
      %mul3A_321 = arith.constant 16 : i32
      %mul3A_322 = arith.muli %scan3A_301, %mul3A_321 : i32
      %add3A_323 = arith.constant 0 : i32
      %add3A_324 = arith.addi %add3A_323, %mul3A_322 : i32
      %swap3A_325 = arith.index_cast %add3A_324 : i32 to index
      %swap3A_326 = tpu.vector_load %arg12[%swap3A_325] {strides = array<i32>} : memref<256xf32, #tpu.memory_space<vmem>>, vector<16xf32>,
      tpu.vector_store %arg12[%swap3A_325], %parallel_loop3A_309#2 {strides = array<i32>} : memref<256xf32, #tpu.memory_space<vmem>>, vector<16xf32>,
      %scan3A_327 = arith.constant 0 : i32
      scf.yield %scan3A_327 : i32
    }
    %scan3A_187 = arith.constant 8 : i32
    %add3A_188 = arith.constant 256 : i32
    %add3A_189 = arith.addi %mul3A_63, %add3A_188 : i32
    %dma_start3A_190 = arith.constant 0 : i32
    %dma_start3A_191 = tpu.memref_slice %arg10[%dma_start3A_190] : memref<256xf32, #tpu.memory_space<vmem>> -> memref<128xf32, #tpu.memory_space<vmem>>
    %dma_start3A_192 = tpu.memref_slice %arg5[%add3A_189] : memref<16384xf32, #tpu.memory_space<hbm>> -> memref<128xf32, #tpu.memory_space<hbm>>
    %dma_start3A_193 = tpu.memref_slice %arg5[%add3A_189] : memref<16384xf32, #tpu.memory_space<hbm>> -> memref<128xf32, #tpu.memory_space<hbm>>
    %dma_start3A_194 = arith.constant 0 : i32
    %dma_start3A_195 = tpu.memref_slice %arg10[%dma_start3A_194] : memref<256xf32, #tpu.memory_space<vmem>> -> memref<128xf32, #tpu.memory_space<vmem>>
    tpu.enqueue_dma source(%dma_start3A_195 : memref<128xf32, #tpu.memory_space<vmem>>) target(%dma_start3A_193 : memref<128xf32, #tpu.memory_space<hbm>>) target_semaphore(%arg20 : memref<!tpu.dma_semaphore, #tpu.memory_space<semaphore_mem>>)
    %add3A_196 = arith.constant 256 : i32
    %add3A_197 = arith.addi %mul3A_63, %add3A_196 : i32
    %dma_start3A_198 = arith.constant 0 : i32
    %dma_start3A_199 = tpu.memref_slice %arg11[%dma_start3A_198] : memref<256xf32, #tpu.memory_space<vmem>> -> memref<128xf32, #tpu.memory_space<vmem>>
    %dma_start3A_200 = tpu.memref_slice %arg6[%add3A_197] : memref<16384xf32, #tpu.memory_space<hbm>> -> memref<128xf32, #tpu.memory_space<hbm>>
    %dma_start3A_201 = tpu.memref_slice %arg6[%add3A_197] : memref<16384xf32, #tpu.memory_space<hbm>> -> memref<128xf32, #tpu.memory_space<hbm>>
    %dma_start3A_202 = arith.constant 0 : i32
    %dma_start3A_203 = tpu.memref_slice %arg11[%dma_start3A_202] : memref<256xf32, #tpu.memory_space<vmem>> -> memref<128xf32, #tpu.memory_space<vmem>>
    tpu.enqueue_dma source(%dma_start3A_203 : memref<128xf32, #tpu.memory_space<vmem>>) target(%dma_start3A_201 : memref<128xf32, #tpu.memory_space<hbm>>) target_semaphore(%arg20 : memref<!tpu.dma_semaphore, #tpu.memory_space<semaphore_mem>>)
    %add3A_204 = arith.constant 256 : i32
    %add3A_205 = arith.addi %mul3A_63, %add3A_204 : i32
    %dma_start3A_206 = arith.constant 0 : i32
    %dma_start3A_207 = tpu.memref_slice %arg12[%dma_start3A_206] : memref<256xf32, #tpu.memory_space<vmem>> -> memref<128xf32, #tpu.memory_space<vmem>>
    %dma_start3A_208 = tpu.memref_slice %arg7[%add3A_205] : memref<16384xf32, #tpu.memory_space<hbm>> -> memref<128xf32, #tpu.memory_space<hbm>>
    %dma_start3A_209 = tpu.memref_slice %arg7[%add3A_205] : memref<16384xf32, #tpu.memory_space<hbm>> -> memref<128xf32, #tpu.memory_space<hbm>>
    %dma_start3A_210 = arith.constant 0 : i32
    %dma_start3A_211 = tpu.memref_slice %arg12[%dma_start3A_210] : memref<256xf32, #tpu.memory_space<vmem>> -> memref<128xf32, #tpu.memory_space<vmem>>
    tpu.enqueue_dma source(%dma_start3A_211 : memref<128xf32, #tpu.memory_space<vmem>>) target(%dma_start3A_209 : memref<128xf32, #tpu.memory_space<hbm>>) target_semaphore(%arg20 : memref<!tpu.dma_semaphore, #tpu.memory_space<semaphore_mem>>)
    %dma_wait3A_212 = arith.constant 0 : i32
    %dma_wait3A_213 = tpu.memref_slice %arg2[%add3A_158, %dma_wait3A_212] : memref<16384x200xi32, #tpu.memory_space<hbm>> -> memref<128x200xi32, #tpu.memory_space<hbm>>
    %dma_wait3A_214 = arith.constant 0 : i32
    %dma_wait3A_215 = tpu.memref_slice %arg2[%add3A_158, %dma_wait3A_214] : memref<16384x200xi32, #tpu.memory_space<hbm>> -> memref<128x200xi32, #tpu.memory_space<hbm>>
    tpu.wait_dma2 semaphore(%arg19 : memref<!tpu.dma_semaphore, #tpu.memory_space<semaphore_mem>>) src(%dma_wait3A_215 : memref<128x200xi32, #tpu.memory_space<hbm>>) dst(%arg9 : memref<128x200xi32, #tpu.memory_space<vmem>>)
    %dma_wait3A_216 = arith.constant 128 : i32
    %dma_wait3A_217 = tpu.memref_slice %arg10[%dma_wait3A_216] : memref<256xf32, #tpu.memory_space<vmem>> -> memref<128xf32, #tpu.memory_space<vmem>>
    %dma_wait3A_218 = tpu.memref_slice %arg5[%add3A_130] : memref<16384xf32, #tpu.memory_space<hbm>> -> memref<128xf32, #tpu.memory_space<hbm>>
    %dma_wait3A_219 = tpu.memref_slice %arg5[%add3A_130] : memref<16384xf32, #tpu.memory_space<hbm>> -> memref<128xf32, #tpu.memory_space<hbm>>
    %dma_wait3A_220 = arith.constant 128 : i32
    %dma_wait3A_221 = tpu.memref_slice %arg10[%dma_wait3A_220] : memref<256xf32, #tpu.memory_space<vmem>> -> memref<128xf32, #tpu.memory_space<vmem>>
    tpu.wait_dma2 semaphore(%arg21 : memref<!tpu.dma_semaphore, #tpu.memory_space<semaphore_mem>>) src(%dma_wait3A_221 : memref<128xf32, #tpu.memory_space<vmem>>) dst(%dma_wait3A_219 : memref<128xf32, #tpu.memory_space<hbm>>)
    %dma_wait3A_222 = arith.constant 128 : i32
    %dma_wait3A_223 = tpu.memref_slice %arg11[%dma_wait3A_222] : memref<256xf32, #tpu.memory_space<vmem>> -> memref<128xf32, #tpu.memory_space<vmem>>
    %dma_wait3A_224 = tpu.memref_slice %arg6[%add3A_138] : memref<16384xf32, #tpu.memory_space<hbm>> -> memref<128xf32, #tpu.memory_space<hbm>>
    %dma_wait3A_225 = tpu.memref_slice %arg6[%add3A_138] : memref<16384xf32, #tpu.memory_space<hbm>> -> memref<128xf32, #tpu.memory_space<hbm>>
    %dma_wait3A_226 = arith.constant 128 : i32
    %dma_wait3A_227 = tpu.memref_slice %arg11[%dma_wait3A_226] : memref<256xf32, #tpu.memory_space<vmem>> -> memref<128xf32, #tpu.memory_space<vmem>>
    tpu.wait_dma2 semaphore(%arg21 : memref<!tpu.dma_semaphore, #tpu.memory_space<semaphore_mem>>) src(%dma_wait3A_227 : memref<128xf32, #tpu.memory_space<vmem>>) dst(%dma_wait3A_225 : memref<128xf32, #tpu.memory_space<hbm>>)
    %dma_wait3A_228 = arith.constant 128 : i32
    %dma_wait3A_229 = tpu.memref_slice %arg12[%dma_wait3A_228] : memref<256xf32, #tpu.memory_space<vmem>> -> memref<128xf32, #tpu.memory_space<vmem>>
    %dma_wait3A_230 = tpu.memref_slice %arg7[%add3A_146] : memref<16384xf32, #tpu.memory_space<hbm>> -> memref<128xf32, #tpu.memory_space<hbm>>
    %dma_wait3A_231 = tpu.memref_slice %arg7[%add3A_146] : memref<16384xf32, #tpu.memory_space<hbm>> -> memref<128xf32, #tpu.memory_space<hbm>>
    %dma_wait3A_232 = arith.constant 128 : i32
    %dma_wait3A_233 = tpu.memref_slice %arg12[%dma_wait3A_232] : memref<256xf32, #tpu.memory_space<vmem>> -> memref<128xf32, #tpu.memory_space<vmem>>
    tpu.wait_dma2 semaphore(%arg21 : memref<!tpu.dma_semaphore, #tpu.memory_space<semaphore_mem>>) src(%dma_wait3A_233 : memref<128xf32, #tpu.memory_space<vmem>>) dst(%dma_wait3A_231 : memref<128xf32, #tpu.memory_space<hbm>>)
    %scan3A_234 = arith.constant 0 : i32
    %scan3A_235 = arith.constant 0 : i32
    %scan3A_236 = arith.constant 8 : i32
    %scan3A_237 = arith.addi %scan3A_235, %scan3A_236 : i32
    %scan3A_238 = arith.constant 1 : i32
    %scan3A_239 = scf.for %scan3A_301 = %scan3A_235 to %scan3A_237 step %scan3A_238 iter_args(%scan3A_302 = %scan3A_234) -> (i32)  : i32 {
      %mul3A_303 = arith.constant 16 : i32
      %mul3A_304 = arith.muli %scan3A_301, %mul3A_303 : i32
      %add3A_305 = vector.broadcast %mul3A_304 : i32 to vector<16xi32>
      %add3A_306 = arith.addi %add3A_305, %iota3A : vector<16xi32>
      %parallel_loop3A = arith.constant 0 : i32
      %parallel_loop3A_307 = arith.constant 200 : i32
      %parallel_loop3A_308 = arith.constant 1 : i32
      %parallel_loop3A_309:3 = scf.for %parallel_loop3A_328 = %parallel_loop3A to %parallel_loop3A_307 step %parallel_loop3A_308 iter_args(%parallel_loop3A_329 = %broadcast_in_dim3A_61, %parallel_loop3A_330 = %broadcast_in_dim3A_61, %parallel_loop3A_331 = %broadcast_in_dim3A_61) -> (vector<16xf32>, vector<16xf32>, vector<16xf32>)  : i32 {
        %parallel_loop3A_332 = vector.broadcast %parallel_loop3A_328 : i32 to vector<16xi32>
        %parallel_loop3A_333 = arith.addi %mul3A_71, %parallel_loop3A_332 : vector<16xi32>
        %parallel_loop3A_334 = arith.constant 200 : i32
        %parallel_loop3A_335 = vector.broadcast %parallel_loop3A_334 : i32 to vector<16xi32>
        %parallel_loop3A_336 = arith.cmpi slt, %parallel_loop3A_333, %parallel_loop3A_335 : vector<16xi32>
        %parallel_loop3A_337 = arith.constant 200 : i32
        %parallel_loop3A_338 = vector.broadcast %parallel_loop3A_337 : i32 to vector<16xi32>
        %parallel_loop3A_339 = arith.subi %parallel_loop3A_333, %parallel_loop3A_338 : vector<16xi32>
        %parallel_loop3A_340 = arith.select %parallel_loop3A_336, %parallel_loop3A_333, %parallel_loop3A_339 : vector<16xi1>, vector<16xi32>
        %parallel_loop3A_341 = tpu.vector_load_idx %arg9[%add3A_306, %parallel_loop3A_340] : memref<128x200xi32, #tpu.memory_space<vmem>>[vector<16xi32>, vector<16xi32>], vector<16xi32>,
        %parallel_loop3A_342 = arith.constant 16 : i32
        %parallel_loop3A_343 = vector.broadcast %parallel_loop3A_342 : i32 to vector<16xi32>
        %parallel_loop3A_344 = arith.muli %parallel_loop3A_341, %parallel_loop3A_343 : vector<16xi32>
        %parallel_loop3A_345 = arith.addi %parallel_loop3A_344, %iota3A : vector<16xi32>
        %parallel_loop3A_346 = tpu.vector_load_idx %arg15[%parallel_loop3A_345] : memref<2048xf32, #tpu.memory_space<vmem>>[vector<16xi32>], vector<16xf32>,
        %parallel_loop3A_347 = arith.addf %parallel_loop3A_329, %parallel_loop3A_346 : vector<16xf32>
        %parallel_loop3A_348 = tpu.vector_load_idx %arg16[%parallel_loop3A_345] : memref<2048xf32, #tpu.memory_space<vmem>>[vector<16xi32>], vector<16xf32>,
        %parallel_loop3A_349 = arith.addf %parallel_loop3A_330, %parallel_loop3A_348 : vector<16xf32>
        %parallel_loop3A_350 = tpu.vector_load_idx %arg17[%parallel_loop3A_345] : memref<2048xf32, #tpu.memory_space<vmem>>[vector<16xi32>], vector<16xf32>,
        %parallel_loop3A_351 = arith.addf %parallel_loop3A_331, %parallel_loop3A_350 : vector<16xf32>
        scf.yield %parallel_loop3A_347, %parallel_loop3A_349, %parallel_loop3A_351 : vector<16xf32>, vector<16xf32>, vector<16xf32>
      } {sc.loop_unroll_factor = 8 : i64, sc.parallel_access}
      %mul3A_310 = arith.constant 16 : i32
      %mul3A_311 = arith.muli %scan3A_301, %mul3A_310 : i32
      %add3A_312 = arith.constant 128 : i32
      %add3A_313 = arith.addi %add3A_312, %mul3A_311 : i32
      %swap3A = arith.index_cast %add3A_313 : i32 to index
      %swap3A_314 = tpu.vector_load %arg10[%swap3A] {strides = array<i32>} : memref<256xf32, #tpu.memory_space<vmem>>, vector<16xf32>,
      tpu.vector_store %arg10[%swap3A], %parallel_loop3A_309#0 {strides = array<i32>} : memref<256xf32, #tpu.memory_space<vmem>>, vector<16xf32>,
      %mul3A_315 = arith.constant 16 : i32
      %mul3A_316 = arith.muli %scan3A_301, %mul3A_315 : i32
      %add3A_317 = arith.constant 128 : i32
      %add3A_318 = arith.addi %add3A_317, %mul3A_316 : i32
      %swap3A_319 = arith.index_cast %add3A_318 : i32 to index
      %swap3A_320 = tpu.vector_load %arg11[%swap3A_319] {strides = array<i32>} : memref<256xf32, #tpu.memory_space<vmem>>, vector<16xf32>,
      tpu.vector_store %arg11[%swap3A_319], %parallel_loop3A_309#1 {strides = array<i32>} : memref<256xf32, #tpu.memory_space<vmem>>, vector<16xf32>,
      %mul3A_321 = arith.constant 16 : i32
      %mul3A_322 = arith.muli %scan3A_301, %mul3A_321 : i32
      %add3A_323 = arith.constant 128 : i32
      %add3A_324 = arith.addi %add3A_323, %mul3A_322 : i32
      %swap3A_325 = arith.index_cast %add3A_324 : i32 to index
      %swap3A_326 = tpu.vector_load %arg12[%swap3A_325] {strides = array<i32>} : memref<256xf32, #tpu.memory_space<vmem>>, vector<16xf32>,
      tpu.vector_store %arg12[%swap3A_325], %parallel_loop3A_309#2 {strides = array<i32>} : memref<256xf32, #tpu.memory_space<vmem>>, vector<16xf32>,
      %scan3A_327 = arith.constant 0 : i32
      scf.yield %scan3A_327 : i32
    }
    %scan3A_240 = arith.constant 8 : i32
    %add3A_241 = arith.constant 384 : i32
    %add3A_242 = arith.addi %mul3A_63, %add3A_241 : i32
    %dma_start3A_243 = arith.constant 128 : i32
    %dma_start3A_244 = tpu.memref_slice %arg10[%dma_start3A_243] : memref<256xf32, #tpu.memory_space<vmem>> -> memref<128xf32, #tpu.memory_space<vmem>>
    %dma_start3A_245 = tpu.memref_slice %arg5[%add3A_242] : memref<16384xf32, #tpu.memory_space<hbm>> -> memref<128xf32, #tpu.memory_space<hbm>>
    %dma_start3A_246 = tpu.memref_slice %arg5[%add3A_242] : memref<16384xf32, #tpu.memory_space<hbm>> -> memref<128xf32, #tpu.memory_space<hbm>>
    %dma_start3A_247 = arith.constant 128 : i32
    %dma_start3A_248 = tpu.memref_slice %arg10[%dma_start3A_247] : memref<256xf32, #tpu.memory_space<vmem>> -> memref<128xf32, #tpu.memory_space<vmem>>
    tpu.enqueue_dma source(%dma_start3A_248 : memref<128xf32, #tpu.memory_space<vmem>>) target(%dma_start3A_246 : memref<128xf32, #tpu.memory_space<hbm>>) target_semaphore(%arg21 : memref<!tpu.dma_semaphore, #tpu.memory_space<semaphore_mem>>)
    %add3A_249 = arith.constant 384 : i32
    %add3A_250 = arith.addi %mul3A_63, %add3A_249 : i32
    %dma_start3A_251 = arith.constant 128 : i32
    %dma_start3A_252 = tpu.memref_slice %arg11[%dma_start3A_251] : memref<256xf32, #tpu.memory_space<vmem>> -> memref<128xf32, #tpu.memory_space<vmem>>
    %dma_start3A_253 = tpu.memref_slice %arg6[%add3A_250] : memref<16384xf32, #tpu.memory_space<hbm>> -> memref<128xf32, #tpu.memory_space<hbm>>
    %dma_start3A_254 = tpu.memref_slice %arg6[%add3A_250] : memref<16384xf32, #tpu.memory_space<hbm>> -> memref<128xf32, #tpu.memory_space<hbm>>
    %dma_start3A_255 = arith.constant 128 : i32
    %dma_start3A_256 = tpu.memref_slice %arg11[%dma_start3A_255] : memref<256xf32, #tpu.memory_space<vmem>> -> memref<128xf32, #tpu.memory_space<vmem>>
    tpu.enqueue_dma source(%dma_start3A_256 : memref<128xf32, #tpu.memory_space<vmem>>) target(%dma_start3A_254 : memref<128xf32, #tpu.memory_space<hbm>>) target_semaphore(%arg21 : memref<!tpu.dma_semaphore, #tpu.memory_space<semaphore_mem>>)
    %add3A_257 = arith.constant 384 : i32
    %add3A_258 = arith.addi %mul3A_63, %add3A_257 : i32
    %dma_start3A_259 = arith.constant 128 : i32
    %dma_start3A_260 = tpu.memref_slice %arg12[%dma_start3A_259] : memref<256xf32, #tpu.memory_space<vmem>> -> memref<128xf32, #tpu.memory_space<vmem>>
    %dma_start3A_261 = tpu.memref_slice %arg7[%add3A_258] : memref<16384xf32, #tpu.memory_space<hbm>> -> memref<128xf32, #tpu.memory_space<hbm>>
    %dma_start3A_262 = tpu.memref_slice %arg7[%add3A_258] : memref<16384xf32, #tpu.memory_space<hbm>> -> memref<128xf32, #tpu.memory_space<hbm>>
    %dma_start3A_263 = arith.constant 128 : i32
    %dma_start3A_264 = tpu.memref_slice %arg12[%dma_start3A_263] : memref<256xf32, #tpu.memory_space<vmem>> -> memref<128xf32, #tpu.memory_space<vmem>>
    tpu.enqueue_dma source(%dma_start3A_264 : memref<128xf32, #tpu.memory_space<vmem>>) target(%dma_start3A_262 : memref<128xf32, #tpu.memory_space<hbm>>) target_semaphore(%arg21 : memref<!tpu.dma_semaphore, #tpu.memory_space<semaphore_mem>>)
    %dma_wait3A_265 = arith.constant 0 : i32
    %dma_wait3A_266 = tpu.memref_slice %arg10[%dma_wait3A_265] : memref<256xf32, #tpu.memory_space<vmem>> -> memref<128xf32, #tpu.memory_space<vmem>>
    %dma_wait3A_267 = tpu.memref_slice %arg5[%add3A_189] : memref<16384xf32, #tpu.memory_space<hbm>> -> memref<128xf32, #tpu.memory_space<hbm>>
    %dma_wait3A_268 = tpu.memref_slice %arg5[%add3A_189] : memref<16384xf32, #tpu.memory_space<hbm>> -> memref<128xf32, #tpu.memory_space<hbm>>
    %dma_wait3A_269 = arith.constant 0 : i32
    %dma_wait3A_270 = tpu.memref_slice %arg10[%dma_wait3A_269] : memref<256xf32, #tpu.memory_space<vmem>> -> memref<128xf32, #tpu.memory_space<vmem>>
    tpu.wait_dma2 semaphore(%arg20 : memref<!tpu.dma_semaphore, #tpu.memory_space<semaphore_mem>>) src(%dma_wait3A_270 : memref<128xf32, #tpu.memory_space<vmem>>) dst(%dma_wait3A_268 : memref<128xf32, #tpu.memory_space<hbm>>)
    %dma_wait3A_271 = arith.constant 0 : i32
    %dma_wait3A_272 = tpu.memref_slice %arg11[%dma_wait3A_271] : memref<256xf32, #tpu.memory_space<vmem>> -> memref<128xf32, #tpu.memory_space<vmem>>
    %dma_wait3A_273 = tpu.memref_slice %arg6[%add3A_197] : memref<16384xf32, #tpu.memory_space<hbm>> -> memref<128xf32, #tpu.memory_space<hbm>>
    %dma_wait3A_274 = tpu.memref_slice %arg6[%add3A_197] : memref<16384xf32, #tpu.memory_space<hbm>> -> memref<128xf32, #tpu.memory_space<hbm>>
    %dma_wait3A_275 = arith.constant 0 : i32
    %dma_wait3A_276 = tpu.memref_slice %arg11[%dma_wait3A_275] : memref<256xf32, #tpu.memory_space<vmem>> -> memref<128xf32, #tpu.memory_space<vmem>>
    tpu.wait_dma2 semaphore(%arg20 : memref<!tpu.dma_semaphore, #tpu.memory_space<semaphore_mem>>) src(%dma_wait3A_276 : memref<128xf32, #tpu.memory_space<vmem>>) dst(%dma_wait3A_274 : memref<128xf32, #tpu.memory_space<hbm>>)
    %dma_wait3A_277 = arith.constant 0 : i32
    %dma_wait3A_278 = tpu.memref_slice %arg12[%dma_wait3A_277] : memref<256xf32, #tpu.memory_space<vmem>> -> memref<128xf32, #tpu.memory_space<vmem>>
    %dma_wait3A_279 = tpu.memref_slice %arg7[%add3A_205] : memref<16384xf32, #tpu.memory_space<hbm>> -> memref<128xf32, #tpu.memory_space<hbm>>
    %dma_wait3A_280 = tpu.memref_slice %arg7[%add3A_205] : memref<16384xf32, #tpu.memory_space<hbm>> -> memref<128xf32, #tpu.memory_space<hbm>>
    %dma_wait3A_281 = arith.constant 0 : i32
    %dma_wait3A_282 = tpu.memref_slice %arg12[%dma_wait3A_281] : memref<256xf32, #tpu.memory_space<vmem>> -> memref<128xf32, #tpu.memory_space<vmem>>
    tpu.wait_dma2 semaphore(%arg20 : memref<!tpu.dma_semaphore, #tpu.memory_space<semaphore_mem>>) src(%dma_wait3A_282 : memref<128xf32, #tpu.memory_space<vmem>>) dst(%dma_wait3A_280 : memref<128xf32, #tpu.memory_space<hbm>>)
    %dma_wait3A_283 = arith.constant 128 : i32
    %dma_wait3A_284 = tpu.memref_slice %arg10[%dma_wait3A_283] : memref<256xf32, #tpu.memory_space<vmem>> -> memref<128xf32, #tpu.memory_space<vmem>>
    %dma_wait3A_285 = tpu.memref_slice %arg5[%add3A_242] : memref<16384xf32, #tpu.memory_space<hbm>> -> memref<128xf32, #tpu.memory_space<hbm>>
    %dma_wait3A_286 = tpu.memref_slice %arg5[%add3A_242] : memref<16384xf32, #tpu.memory_space<hbm>> -> memref<128xf32, #tpu.memory_space<hbm>>
    %dma_wait3A_287 = arith.constant 128 : i32
    %dma_wait3A_288 = tpu.memref_slice %arg10[%dma_wait3A_287] : memref<256xf32, #tpu.memory_space<vmem>> -> memref<128xf32, #tpu.memory_space<vmem>>
    tpu.wait_dma2 semaphore(%arg21 : memref<!tpu.dma_semaphore, #tpu.memory_space<semaphore_mem>>) src(%dma_wait3A_288 : memref<128xf32, #tpu.memory_space<vmem>>) dst(%dma_wait3A_286 : memref<128xf32, #tpu.memory_space<hbm>>)
    %dma_wait3A_289 = arith.constant 128 : i32
    %dma_wait3A_290 = tpu.memref_slice %arg11[%dma_wait3A_289] : memref<256xf32, #tpu.memory_space<vmem>> -> memref<128xf32, #tpu.memory_space<vmem>>
    %dma_wait3A_291 = tpu.memref_slice %arg6[%add3A_250] : memref<16384xf32, #tpu.memory_space<hbm>> -> memref<128xf32, #tpu.memory_space<hbm>>
    %dma_wait3A_292 = tpu.memref_slice %arg6[%add3A_250] : memref<16384xf32, #tpu.memory_space<hbm>> -> memref<128xf32, #tpu.memory_space<hbm>>
    %dma_wait3A_293 = arith.constant 128 : i32
    %dma_wait3A_294 = tpu.memref_slice %arg11[%dma_wait3A_293] : memref<256xf32, #tpu.memory_space<vmem>> -> memref<128xf32, #tpu.memory_space<vmem>>
    tpu.wait_dma2 semaphore(%arg21 : memref<!tpu.dma_semaphore, #tpu.memory_space<semaphore_mem>>) src(%dma_wait3A_294 : memref<128xf32, #tpu.memory_space<vmem>>) dst(%dma_wait3A_292 : memref<128xf32, #tpu.memory_space<hbm>>)
    %dma_wait3A_295 = arith.constant 128 : i32
    %dma_wait3A_296 = tpu.memref_slice %arg12[%dma_wait3A_295] : memref<256xf32, #tpu.memory_space<vmem>> -> memref<128xf32, #tpu.memory_space<vmem>>
    %dma_wait3A_297 = tpu.memref_slice %arg7[%add3A_258] : memref<16384xf32, #tpu.memory_space<hbm>> -> memref<128xf32, #tpu.memory_space<hbm>>
    %dma_wait3A_298 = tpu.memref_slice %arg7[%add3A_258] : memref<16384xf32, #tpu.memory_space<hbm>> -> memref<128xf32, #tpu.memory_space<hbm>>
    %dma_wait3A_299 = arith.constant 128 : i32
    %dma_wait3A_300 = tpu.memref_slice %arg12[%dma_wait3A_299] : memref<256xf32, #tpu.memory_space<vmem>> -> memref<128xf32, #tpu.memory_space<vmem>>
    tpu.wait_dma2 semaphore(%arg21 : memref<!tpu.dma_semaphore, #tpu.memory_space<semaphore_mem>>) src(%dma_wait3A_300 : memref<128xf32, #tpu.memory_space<vmem>>) dst(%dma_wait3A_298 : memref<128xf32, #tpu.memory_space<hbm>>)
    return
  }
}

</mosaic_0001>

<sc_bundles>
// kernel: kernel.3.cloned.1.call-start
scs
__scs_entry_jumppad:
0x0: {  	(pc) =	sbr.rel $0x88, $3  }
0x1: {  	(tag) =	ssettag $0x0;
	lr =	simm.s32 $0x1  }
0x2: {  	[smem:$0x3F9D] =	sst lr;
	_ =	strace $0xD0000000  }
0x3: {  	_ = 	snop  }
0x4: {  	_ = 	snop  }
0x5: {  	_ = 	snop  }
0x6: {  	_ = 	snop  }
0x7: {  	_ = 	snop  }
__scs_overlays_trampoline_lowered:
0x8: {  	[smem:$0x3FAC] =	sst s0  }
0x9: {  	[smem:$0x3FAD] =	sst s1  }
0xa: {  	[smem:$0x3FAE] =	sst s2  }
0xb: {  	[smem:$0x3FAF] =	sst s3  }
0xc: {  	[smem:$0x3FB0] =	sst s4  }
0xd: {  	[smem:$0x3FB1] =	sst s5  }
0xe: {  	[smem:$0x3FB2] =	sst s6  }
0xf: {  	[smem:$0x3FB3] =	sst s7  }
0x10: {  	[smem:$0x3FB4] =	sst s8  }
0x11: {  	[smem:$0x3FB5] =	sst s9;
	s0 =	simm.s32 @!p0 $0x0  }
0x12: {  	s1 =	sld [smem:$0x3F9B];
	s0 =	simm.s32 @p0 $0x1  }
0x13: {  	[smem:$0x3FB6] =	sst s0;
	s0 =	simm.s32 @!p1 $0x0  }
0x14: {  	s2 =	sld [smem:$0x3F9A];
	s0 =	simm.s32 @p1 $0x1  }
0x15: {  	[smem:$0x3FB7] =	sst s0;
	s0 =	simm.s32 @!p2 $0x0  }
0x16: {  	s3 =	sld [smem:$0x3FDB];
	s0 =	simm.s32 @p2 $0x1  }
0x17: {  	s4 =	simm.s32 $0x1BF5;
	[smem:$0x3FB9] =	sst s0  }
0x18: {  	s0 =	sld [smem:$0x3F9C];
	_ =	swait.ge [sflag:s4], $0x0  }
0x19: {  	s7 =	sld [smem:$0x3F9D]  }
0x1a: {  	s8 =	sadd.s32 $0xFFFFE003, lr  }
0x1b: {  	s9 =	sadd.s32 $0xFFFFFEF7, lr;
	s5 =	simm.s32 $0xFFFFFFFF;
	p2 =	slt.u32 s8, $0xFFFFF086  }
0x1c: {  	p1 =	slt.u32 s9, $0xF7A;
	s5 =	simm.s32 @!p2 $0x0  }
0x1d: {  	s5 =	simm.s32 @p1 $0x1;
	p0 =	seq.s32 s7, s2  }
0x1e: {  	s7 =	smul.u32 @!p0 $0xF7A, s2;
	p2 =	seq.s32 @!p0 s5, $0x0  }
0x1f: {  	s9 =	smul.u32 $0xF7A, s1;
	s8 =	simm.s32 @!p0 $0x1BF5;
	p2 =	por !p2, p0  }
0x20: {  	[sflag:s8] =	ssyncset.s32 @!p0 $0xFFFFF086;
	s6 =	sadd.s32 @!p0 s3, s7;
	s7 =	simm.s32 @!p0 $0x108  }
0x21: {  	s3 =	sadd.s32 s3, s9;
	s6 =	sadd.s32 @!p0 $0x88, s6;
	s7 =	simm.s32 @p2 $0x1082  }
0x22: {  	[simem:s7], [sflag:s8] =	dma.local @!p0 [hbm:s6], $0xF7A  }
0x23: {  	s9 =	sor.u32 $0xD0000000, s2;
	s6 =	simm.s32 $0x108;
	_ =	swait.ge @!p0 [sflag:s8], $0x0  }
0x24: {  	s3 =	sadd.s32 $0x88, s3;
	s6 =	simm.s32 @!p1 $0x1082;
	[sflag:s4] =	ssyncset.s32 $0xFFFFF086  }
0x25: {  	[simem:s6], [sflag:s4] =	dma.local [hbm:s3], $0xF7A  }
0x26: {  	[smem:$0x3F9D] =	sst s1;
	(tag) =	ssettag s2;
	_ =	strace s9  }
0x27: {  	s1 =	sld [smem:$0x3FAD]  }
0x28: {  	s2 =	sld [smem:$0x3FAE]  }
0x29: {  	s4 =	sld [smem:$0x3FB0]  }
0x2a: {  	p0 =	seq.s32 s5, $0x0;
	s5 =	sld [smem:$0x3FB1]  }
0x2b: {  	s6 =	sld [smem:$0x3FB2]  }
0x2c: {  	s7 =	sld [smem:$0x3FB3]  }
0x2d: {  	s3 =	simm.s32 $0x108;
	s8 =	sld [smem:$0x3FB4]  }
0x2e: {  	s3 =	simm.s32 @!p0 $0x1082;
	s9 =	sld [smem:$0x3FB5]  }
0x2f: {  	lr =	sadd.s32 s0, s3;
	s0 =	sld [smem:$0x3FAC]  }
0x30: {  	s3 =	sld [smem:$0x3FAF]  }
0x31: {  	[smem:$0x3FB8] =	sst s10  }
0x32: {  	s10 =	sld [smem:$0x3FB6];
	_ =	sdelay $0x3  }
0x33: {  	p0 =	seq.s32 s10, $0x1;
	s10 =	sld [smem:$0x3FB8];
	_ =	sdelay $0x3  }
0x34: {  	[smem:$0x3FB8] =	sst s10  }
0x35: {  	s10 =	sld [smem:$0x3FB7];
	_ =	sdelay $0x3  }
0x36: {  	p1 =	seq.s32 s10, $0x1;
	s10 =	sld [smem:$0x3FB8];
	_ =	sdelay $0x3  }
0x37: {  	[smem:$0x3FB8] =	sst s10  }
0x38: {  	s10 =	sld [smem:$0x3FB9]  }
0x39: {  	_ = 	snop;
	(pc) =	sbr.ind lr, $3  }
0x3a: {  	_ = 	snop  }
0x3b: {  	_ = 	snop  }
0x3c: {  	p2 =	seq.s32 s10, $0x1;
	s10 =	sld [smem:$0x3FB8]  }
0x3d: {  	_ =	shalt  }
0x3e: {  	_ =	shalt  }
0x3f: {  	_ =	shalt  }
0x40: {  	_ =	shalt  }
0x41: {  	_ =	shalt  }
0x42: {  	_ =	shalt  }
0x43: {  	_ =	shalt  }
0x44: {  	_ =	shalt  }
0x45: {  	_ =	shalt  }
0x46: {  	_ =	shalt  }
0x47: {  	_ =	shalt  }
0x48: {  	_ =	shalt  }
0x49: {  	_ =	shalt  }
0x4a: {  	_ =	shalt  }
0x4b: {  	_ =	shalt  }
0x4c: {  	_ =	shalt  }
0x4d: {  	_ =	shalt  }
0x4e: {  	_ =	shalt  }
0x4f: {  	_ =	shalt  }
0x50: {  	_ =	shalt  }
0x51: {  	_ =	shalt  }
0x52: {  	_ =	shalt  }
0x53: {  	_ =	shalt  }
0x54: {  	_ =	shalt  }
0x55: {  	_ =	shalt  }
0x56: {  	_ =	shalt  }
0x57: {  	_ =	shalt  }
0x58: {  	_ =	shalt  }
0x59: {  	_ =	shalt  }
0x5a: {  	_ =	shalt  }
0x5b: {  	_ =	shalt  }
0x5c: {  	_ =	shalt  }
0x5d: {  	_ =	shalt  }
0x5e: {  	_ =	shalt  }
0x5f: {  	_ =	shalt  }
0x60: {  	_ =	shalt  }
0x61: {  	_ =	shalt  }
0x62: {  	_ =	shalt  }
0x63: {  	_ =	shalt  }
0x64: {  	_ =	shalt  }
0x65: {  	_ =	shalt  }
0x66: {  	_ =	shalt  }
0x67: {  	_ =	shalt  }
0x68: {  	_ =	shalt  }
0x69: {  	_ =	shalt  }
0x6a: {  	_ =	shalt  }
0x6b: {  	_ =	shalt  }
0x6c: {  	_ =	shalt  }
0x6d: {  	_ =	shalt  }
0x6e: {  	_ =	shalt  }
0x6f: {  	_ =	shalt  }
0x70: {  	_ =	shalt  }
0x71: {  	_ =	shalt  }
0x72: {  	_ =	shalt  }
0x73: {  	_ =	shalt  }
0x74: {  	_ =	shalt  }
0x75: {  	_ =	shalt  }
0x76: {  	_ =	shalt  }
0x77: {  	_ =	shalt  }
0x78: {  	_ =	shalt  }
0x79: {  	_ =	shalt  }
0x7a: {  	_ =	shalt  }
0x7b: {  	_ =	shalt  }
0x7c: {  	_ =	shalt  }
0x7d: {  	_ =	shalt  }
0x7e: {  	_ =	shalt  }
0x7f: {  	_ =	shalt  }
0x80: {  	_ =	shalt  }
0x81: {  	_ =	shalt  }
0x82: {  	_ =	shalt  }
0x83: {  	_ =	shalt  }
0x84: {  	_ =	shalt  }
0x85: {  	_ =	shalt  }
0x86: {  	_ =	shalt  }
0x87: {  	_ =	shalt  }
.Lfunc_end0:
.L_simem_size_0:
called_computation_lowered:
.L_overlay_start_0:
0x88: {  	s2 =	sld [smem:$0x3FD9]  }
0x89: {  	s3 =	sld [smem:$0x3FFE];
	_ =	sdelay $0x1  }
0x8a: {  	s1 =	srdreg.scid  }
0x8b: {  	s0 =	sand.u32 $0x1, s1  }
0x8c: {  	s17 =	sshll.u32 s0, $0xA;
	s2 =	sadd.s32 s3, s2  }
0x8d: {  	s2 =	sadd.s32 s2, s17  }
0x8e: {  	[smem:$0x3FC4] =	sst s2  }
0x8f: {  	_ = 	snop  }
0x90: {  	s2 =	sld [smem:$0x3FD0];
	(tm) =	ssettm $0x1  }
0x91: {  	s18 =	sld [smem:$0x3FFB];
	_ =	sdelay $0x3  }
0x92: {  	_ =	strace s18  }
0x93: {  	s3 =	sld [smem:$0x3FFC];
	_ =	sdelay $0x3  }
0x94: {  	_ =	strace s3  }
0x95: {  	s3 =	sld [smem:$0x3FFD];
	_ =	sdelay $0x3  }
0x96: {  	_ =	strace s3  }
0x97: {  	_ =	strace $0x8FFFFFFF  }
0x98: {  	s19 =	sld [smem:$0x3FDB];
	_ =	sdelay $0x1  }
0x99: {  	s4 =	simm.s32 $_scs_section_size  }
0x9a: {  	s5 =	simm.s32 $_size__tile_overlayer_lowered;
	s6 =	simm.s32 $_tile_overlayer_lowered  }
0x9b: {  	s22 =	simm.s32 $0x1BFF;
	s21 =	sshll.u32 s6, $0x1;
	s3 =	sadd.s32 s4, s19  }
0x9c: {  	s7 =	simm.s32 $0x0;
	s20 =	sshll.u32 s5, $0x1;
	s5 =	sadd.s32 s21, s3  }
0x9d: {  	[timem:s7], [sflag:s22] =	dma.local [hbm:s5], s20  }
0x9e: {  	_ =	swait.ge [sflag:s22], s20  }
0x9f: {  	s4 =	ssub.s32 $0x0, s20;
	[sflag:s22] =	ssyncset.done $0x0  }
0xa0: {  	[sflag:s22] =	ssyncadd.s32 s4;
	_ =	sdelay $0x1  }
0xa1: {  	s23 =	simm.s32 $0x1B8B  }
0xa2: {  	_ =	swait.ge [sflag:s23], $0x1  }
0xa3: {  	[sflag:s23] =	ssyncset.done $0x0  }
0xa4: {  	s25 =	simm.s32 $0x1B8E;
	s24 =	sld [smem:$0x3FFE];
	[sflag:s23] =	ssyncadd.s32 $0xFFFFFFFF  }
0xa5: {  	s26 =	simm.s32 $execute0_lowered;
	[smem:$0x3FD2] =	sst s25  }
0xa6: {  	s5 =	sshll.u32 s26, $0x1;
	_ =	strace $0x80000046;
	[dreg:$0x1] =	wrdreg $0xFFFFFFFF  }
0xa7: {  	s28 =	simm.s32 $_size_execute0_lowered;
	s3 =	sadd.s32 s3, s5;
	[dreg:$0x0] =	wrdreg $0x0  }
0xa8: {  	s5 =	sshll.u32 s28, $0x1;
	[dreg:$0x2] =	wrdreg s3  }
0xa9: {  	[dreg:$0x3] =	wrdreg s5  }
0xaa: {  	[dreg:$0x4] =	wrdreg $0xC0  }
0xab: {  	_ =	task [dreg:s7], $0x5FFFF  }
0xac: {  	[dreg:$0x1] =	wrdreg $0xFFFFFFFF  }
0xad: {  	[dreg:$0x0] =	wrdreg $0x60  }
0xae: {  	[dreg:$0x2] =	wrdreg s24  }
0xaf: {  	[dreg:$0x3] =	wrdreg s2  }
0xb0: {  	[dreg:$0x4] =	wrdreg $0x9  }
0xb1: {  	_ =	task.clear_ibuf [dreg:s7], $0x5FFFF;
	_ =	strace $0x90000046  }
0xb2: {  	s29 =	simm.s32 $0x9;
	_ =	strace $0x80000048  }
0xb3: {  	_ =	swait.ge [sflag:s29], $0x1  }
0xb4: {  	[sflag:s29] =	ssyncadd.s32 $0xFFFFFFFF  }
0xb5: {  	_ =	strace $0x90000048  }
0xb6: {  	_ =	sfence  }
0xb7: {  	s30 =	sld [smem:$0x0];
	_ =	sdelay $0x2  }
0xb8: {  	s31 =	sshll.u32 s1, $0xD;
	s1 =	sshrl.u32 s1, $0x2  }
0xb9: {  	s3 =	sand.u32 $0x4000, s31;
	s1 =	sadd.s32 s1, s30  }
0xba: {  	s0 =	sor.u32 s3, s0;
	s1 =	sshll.u32 s1, $0x11  }
0xbb: {  	s0 =	sor.u32 s1, s0  }
0xbc: {  	s0 =	sadd.s32 $0x8F2B, s0  }
0xbd: {  	[sflag:s0] =	ssyncadd.remote.s32 $0x1  }
0xbe: {  	_ =	sfence.sel $0xFFFF  }
0xbf: {  	[dreg:$0x0] =	wrdreg $0xFFFFFFFF;
	(pc) =	sbr.abs _section_cstart, $3  }
0xc0: {  	[dreg:$0x1] =	wrdreg $0xFFFFFFFF  }
0xc1: {  	_ =	task.clear_ibuf [dreg:s7], $0x2FFFF;
	_ =	strace $0x9FFFFFFF  }
0xc2: {  	(tm) =	ssettm $0x7FFFFFFF  }
0xc3: {  	_ =	shalt  }
tec
execute0_lowered:
.L_overlay_start_1:
0x0: {  	(tag) =	ssettag $0x1  }
0x1: {  	s0 =	rddreg [dreg:$0x0]  }
0x2: {  	s2 =	simm.s32 $0x0;
	s16 =	srdreg.scid;
	s6 =	stileid.u32  }
0x3: {  	s28 =	simm.s32 $0x10900;
	s29 =	simm.s32 $0x11100;
	s30 =	simm.s32 $0x11900  }
0x4: {  	[smem:$0x7FF] =	sst s2;
	s1 =	sadd.s32 $0xA00, s0;
	s3 =	sadd.s32 $0x800, s0  }
0x5: {  	_ =	strace $0x80000047;
	[dreg:$0x3] =	wrdreg s3;
	s3 =	sand.u32 $0x1, s16  }
0x6: {  	s4 =	sadd.s32 $0x80A00, s0;
	s6 =	sshll.u32 s6, $0xA;
	s7 =	sshll.u32 s3, $0x9  }
0x7: {  	s5 =	sadd.s32 $0x81200, s0;
	s3 =	ssub.s32 $0x2, s3;
	s6 =	sor.u32 s7, s6  }
0x8: {  	s0 =	sadd.s32 $0x81A00, s0;
	s17 =	sshrl.u32 s3, $0x1;
	s8 =	sshll.u32 s6, $0x5  }
0x9: {  	s9 =	sor.u32 $0x80, s6;
	s3 =	ssub.s32 s3, s17;
	s20 =	sshrl.u32 s6, $0x3  }
0xa: {  	s21 =	sor.u32 $0x100, s6;
	s6 =	sor.u32 $0x180, s6;
	s18 =	sadd.s32 s1, s8  }
0xb: {  	s19 =	sshll.u32 s9, $0x5;
	s10 =	sadd.s32 s4, s20;
	s22 =	sadd.s32 s5, s20  }
0xc: {  	s23 =	sshll.u32 s21, $0x5;
	s25 =	sshrl.u32 s9, $0x3;
	s26 =	sshll.u32 s6, $0x5  }
0xd: {  	s8 =	sshrl.u32 s21, $0x3;
	s31 =	sshrl.u32 s6, $0x3;
	[dreg:$0x4] =	wrdreg s18  }
0xe: {  	s21 =	smax.u32 s3, $0x1;
	s6 =	simm.s32 $0x0;
	[dreg:$0x6] =	wrdreg s10  }
0xf: {  	s7 =	sadd.s32 s1, s19;
	[dreg:$0x7] =	wrdreg s22;
	s24 =	sadd.s32 s1, s23  }
0x10: {  	s11 =	sadd.s32 s4, s25;
	s12 =	sadd.s32 s5, s25;
	s13 =	sadd.s32 s0, s25  }
0x11: {  	s14 =	sadd.s32 s1, s26;
	s15 =	sadd.s32 s4, s8;
	s16 =	sadd.s32 s5, s8  }
0x12: {  	s17 =	sadd.s32 s0, s8;
	s18 =	sadd.s32 s4, s31;
	s19 =	sadd.s32 s5, s31  }
0x13: {  	v0 =	vlaneseq.u32;
	s22 =	simm.s32 $0x10300;
	s23 =	simm.s32 $0x5;
	s25 =	simm.s32 $0x1  }
0x14: {  	v1 =	vmul.u32 $0x5, v0;
	s26 =	simm.s32 $0x8000;
	s1 =	simm.s32 $0x2;
	[dreg:$0x5] =	wrdreg s7  }
0x15: {  	v2 =	vmul.u32 $0x8, v0;
	v4 =	vand.u32 $0x7, v0;
	s5 =	simm.s32 $0x3;
	s7 =	sadd.s32 s0, s20;
	[dreg:$0x9] =	wrdreg s24  }
0x16: {  	v3 =	vmul.u32 $0x100, v0;
	v4 =	vmul.u32 $0x80, v4;
	v5 =	vadd.s32 $0xFFFFFF38, v1;
	s20 =	sadd.s32 s0, s31;
	s0 =	simm.s32 $0x4;
	[dreg:$0x8] =	wrdreg s7  }
.LBB2_1:
0x17: {  	s3 =	rddreg [dreg:$0x1]  }
0x18: {  	[tilespmem:s22], [sflag:$0x5] =	stream.linear.gather [hbm4b:s3+s2], $0x400, $0x38;
	[tilespmem:$0x12100] =	vst v63  }
0x19: {  	_ =	swait.ge [sflag:s23], $0x400  }
0x1a: {  	[sflag:s23] =	ssyncset.done $0x0  }
0x1b: {  	s4 =	simm.s32 $0x10700;
	s24 =	rddreg [dreg:$0x3];
	[sflag:s23] =	ssyncadd.s32 $0xFFFFFC00  }
0x1c: {  	[tilespmem:s4], [sflag:$0x5] =	stream.linear.gather [hbm4b:s24+s2], $0x200, $0x38;
	[tilespmem:$0x12100] =	vst v63  }
0x1d: {  	_ =	swait.ge [sflag:s23], $0x200  }
0x1e: {  	[sflag:s23] =	ssyncset.done $0x0  }
0x1f: {  	[sflag:s23] =	ssyncadd.s32 $0xFFFFFE00  }
0x20: {  	v6 =	vld [tilespmem:$0x10700]  }
0x21: {  	v7 =	vld [tilespmem:$0x10710]  }
0x22: {  	v8 =	vld [tilespmem:$0x10720]  }
0x23: {  	v9 =	vld [tilespmem:$0x10730]  }
0x24: {  	v10 =	vld [tilespmem:$0x10740]  }
0x25: {  	v11 =	vld [tilespmem:$0x10750]  }
0x26: {  	v12 =	vld [tilespmem:$0x10760]  }
0x27: {  	v13 =	vld [tilespmem:$0x10770]  }
0x28: {  	v14 =	vld [tilespmem:$0x10780]  }
0x29: {  	v15 =	vld [tilespmem:$0x10790]  }
0x2a: {  	v16 =	vld [tilespmem:$0x107A0]  }
0x2b: {  	v17 =	vld [tilespmem:$0x107B0]  }
0x2c: {  	v18 =	vld [tilespmem:$0x107C0]  }
0x2d: {  	v19 =	vld [tilespmem:$0x107D0]  }
0x2e: {  	v20 =	vld [tilespmem:$0x107E0]  }
0x2f: {  	v21 =	vld [tilespmem:$0x107F0]  }
0x30: {  	v22 =	vld [tilespmem:$0x10800]  }
0x31: {  	v23 =	vld [tilespmem:$0x10810]  }
0x32: {  	v24 =	vld [tilespmem:$0x10820]  }
0x33: {  	v25 =	vld [tilespmem:$0x10830]  }
0x34: {  	v26 =	vld [tilespmem:$0x10840]  }
0x35: {  	v27 =	vld [tilespmem:$0x10850]  }
0x36: {  	v28 =	vld [tilespmem:$0x10860]  }
0x37: {  	v29 =	vld [tilespmem:$0x10870]  }
0x38: {  	v30 =	vld [tilespmem:$0x10880]  }
0x39: {  	s10 =	simm.s32 $0x11900;
	v31 =	vld [tilespmem:$0x10890]  }
0x3a: {  	s31 =	simm.s32 $0x11100;
	s9 =	simm.s32 $0x10900;
	s24 =	simm.s32 $0x0;
	v32 =	vld [tilespmem:$0x108A0]  }
.LBB2_2:
0x3b: {  	s3 =	sshll.u32 s24, $0x4  }
0x3c: {  	v33 =	vmov s3  }
0x3d: {  	v33 =	vshll.u32 v33, $0x3  }
0x3e: {  	v33 =	vor.u32 v2, v33;
	_ =	sdelay $0x1  }
0x3f: {  	v34 =	vor.u32 $0x1, v33;
	_ =	sdelay $0x1  }
0x40: {  	v36 =	vor.u32 $0x2, v33  }
0x41: {  	v35 =	vld.idx.msk [tilespmem:v33+s22+$0x0], $0xffff  }
0x42: {  	v37 =	vor.u32 $0x3, v33  }
0x43: {  	v34 =	vld.idx.msk [tilespmem:v34+s22+$0x0], $0xffff  }
0x44: {  	v39 =	vor.u32 $0x4, v33  }
0x45: {  	v36 =	vld.idx.msk [tilespmem:v36+s22+$0x0], $0xffff  }
0x46: {  	v41 =	vor.u32 $0x5, v33;
	v38 =	vmul.f32 v35, v6  }
0x47: {  	v44 =	vor.u32 $0x6, v33;
	v33 =	vor.u32 $0x7, v33;
	v37 =	vld.idx.msk [tilespmem:v37+s22+$0x0], $0xffff;
	v40 =	vmul.f32 v35, v7  }
0x48: {  	v35 =	vmul.f32 v35, v8;
	v42 =	vmul.f32 v34, v9;
	v38 =	vadd.f32 $0.0e+00, v38  }
0x49: {  	v39 =	vld.idx.msk [tilespmem:v39+s22+$0x0], $0xffff;
	v43 =	vmul.f32 v34, v10;
	v34 =	vmul.f32 v34, v11;
	v40 =	vadd.f32 $0.0e+00, v40  }
0x4a: {  	v61 =	vmul.f32 v36, v12;
	v35 =	vadd.f32 $0.0e+00, v35;
	v38 =	vadd.f32 v42, v38  }
0x4b: {  	v41 =	vld.idx.msk [tilespmem:v41+s22+$0x0], $0xffff;
	v62 =	vmul.f32 v36, v13;
	v36 =	vmul.f32 v36, v14;
	v40 =	vadd.f32 v43, v40  }
0x4c: {  	v63 =	vmul.f32 v37, v15;
	v34 =	vadd.f32 v34, v35;
	v38 =	vadd.f32 v61, v38  }
0x4d: {  	v47 =	vld.idx.msk [tilespmem:v44+s22+$0x0], $0xffff;
	v45 =	vmul.f32 v37, v16;
	v37 =	vmul.f32 v37, v17;
	v35 =	vadd.f32 v62, v40  }
0x4e: {  	v33 =	vld.idx.msk [tilespmem:v33+s22+$0x0], $0xffff;
	v48 =	vmul.f32 v39, v18;
	v34 =	vadd.f32 v36, v34;
	v46 =	vadd.f32 v63, v38  }
0x4f: {  	v49 =	vmul.f32 v39, v19;
	v50 =	vmul.f32 v39, v20;
	v35 =	vadd.f32 v45, v35  }
0x50: {  	v51 =	vmul.f32 v41, v21;
	v34 =	vadd.f32 v37, v34;
	v36 =	vadd.f32 v48, v46  }
0x51: {  	v52 =	vmul.f32 v41, v22;
	v53 =	vmul.f32 v41, v23;
	v35 =	vadd.f32 v49, v35  }
0x52: {  	v54 =	vmul.f32 v47, v24;
	v34 =	vadd.f32 v50, v34;
	v36 =	vadd.f32 v51, v36  }
0x53: {  	v55 =	vmul.f32 v47, v25;
	v56 =	vmul.f32 v33, v27;
	v35 =	vadd.f32 v52, v35  }
0x54: {  	v38 =	vmul.f32 v47, v26;
	v34 =	vadd.f32 v53, v34;
	v36 =	vadd.f32 v54, v36  }
0x55: {  	v57 =	vmul.f32 v33, v28;
	v35 =	vadd.f32 v55, v35  }
0x56: {  	v33 =	vmul.f32 v33, v29;
	v34 =	vadd.f32 v38, v34;
	v36 =	vadd.f32 v56, v36  }
0x57: {  	v35 =	vadd.f32 v57, v35  }
0x58: {  	v34 =	vadd.f32 v33, v34;
	v58 =	vadd.f32 v36, v30  }
0x59: {  	v35 =	vadd.f32 v35, v31  }
0x5a: {  	s8 =	simm.s32 $0x0;
	v59 =	vadd.f32 v34, v32;
	v33 =	vmul.f32 $4.999999890e-03, v58  }
0x5b: {  	v60 =	vmov s8;
	v34 =	vmul.f32 $4.999999890e-03, v35  }
0x5c: {  	v35 =	vmul.f32 $4.999999890e-03, v59;
	v61 =	vperm.xlane v33, v60  }
0x5d: {  	v62 =	vperm.xlane v34, v60  }
0x5e: {  	v63 =	vperm.xlane v35, v60;
	[tilespmem:s9+$0x0] =	vst v61  }
0x5f: {  	s4 =	simm.s32 $0x1;
	[tilespmem:s31+$0x0] =	vst v62  }
0x60: {  	s7 =	smov.u32 s31;
	s8 =	smov.u32 s9;
	s3 =	smov.u32 s10;
	[tilespmem:s10+$0x0] =	vst v63  }
.LBB2_3:
0x61: {  	v36 =	vmov s4;
	p0 =	sne.s32 s4, $0xF  }
.Ltmp0:
0x62: {  	v37 =	vperm.xlane v33, v36;
	(pc) =	sbr.rel @p0 .LBB2_3-.Ltmp0, $4  }
0x63: {  	s4 =	sadd.s32 $0x1, s4;
	s8 =	sadd.s32 $0x10, s8;
	v38 =	vperm.xlane v34, v36  }
0x64: {  	s7 =	sadd.s32 $0x10, s7;
	v36 =	vperm.xlane v35, v36;
	[tilespmem:s8+$0x0] =	vst v37  }
0x65: {  	s3 =	sadd.s32 $0x10, s3;
	[tilespmem:s7+$0x0] =	vst v38  }
0x66: {  	[tilespmem:s3+$0x0] =	vst v36  }
0x67: {  	s24 =	sadd.s32 $0x1, s24  }
0x68: {  	p0 =	sne.s32 s24, $0x7  }
.Ltmp1:
0x69: {  	_ = 	snop;
	(pc) =	sbr.rel @p0 .LBB2_2-.Ltmp1, $2  }
0x6a: {  	_ =	sdelay $0x2  }
0x6b: {  	s9 =	sadd.s32 $0x100, s9;
	s31 =	sadd.s32 $0x100, s31;
	s10 =	sadd.s32 $0x100, s10  }
0x6c: {  	s3 =	simm.s32 $0x0;
	s4 =	rddreg [dreg:$0x4]  }
0x6d: {  	[tilespmem:s3], [sflag:$0x1] =	stream.linear.gather [hbm4b:s4+s3], $0x8000, $0x38;
	[tilespmem:$0x12100] =	vst v63  }
0x6e: {  	_ =	swait.ge [sflag:s25], $0x8000  }
0x6f: {  	s7 =	simm.s32 $0x0;
	[sflag:s25] =	ssyncset.done $0x0  }
0x70: {  	s31 =	simm.s32 $0x10000;
	s24 =	rddreg [dreg:$0x5];
	[sflag:s25] =	ssyncadd.s32 $0xFFFF8000  }
0x71: {  	[tilespmem:s26], [sflag:$0x2] =	stream.linear.gather [hbm4b:s24+s3], $0x8000, $0x38;
	[tilespmem:$0x12100] =	vst v63  }
.LBB2_6:
0x72: {  	s8 =	sshll.u32 s7, $0x4  }
0x73: {  	s4 =	simm.s32 $0x7;
	v7 =	vadd.s32 s3, v1;
	s9 =	simm.s32 $0x6;
	v8 =	vadd.s32 s3, v5;
	v6 =	vmov s8  }
0x74: {  	s10 =	simm.s32 $0x5;
	v9 =	vadd.s32 s4, v5;
	v10 =	vadd.s32 s9, v5;
	v11 =	vadd.s32 s4, v1  }
0x75: {  	s24 =	simm.s32 $0x3;
	v12 =	vadd.s32 s10, v5;
	v13 =	vadd.s32 s9, v1;
	v16 =	vadd.s32 s10, v1  }
0x76: {  	s4 =	simm.s32 $0x4;
	v17 =	vadd.s32 s24, v1;
	v18 =	vadd.s32 s24, v5;
	vm0 =	vlt.u32 v7, $0xC8  }
0x77: {  	s10 =	simm.s32 $0x2;
	s24 =	simm.s32 $0x1;
	v6 =	vshll.u32 v6, $0x8;
	v14 =	vadd.s32 s4, v1;
	v15 =	vadd.s32 s4, v5  }
0x78: {  	v19 =	vadd.s32 s10, v5;
	v20 =	vadd.s32 s10, v1;
	v21 =	vadd.s32 s24, v5  }
0x79: {  	v22 =	vadd.s32 s24, v1;
	vm1 =	vlt.u32 v11, $0xC8;
	vm2 =	vlt.u32 v16, $0xC8  }
0x7a: {  	vm3 =	vlt.u32 v13, $0xC8;
	vm5 =	vlt.u32 v17, $0xC8;
	v7 =	vsel vm0, v7, v8  }
0x7b: {  	v6 =	vor.u32 v3, v6;
	vm4 =	vlt.u32 v20, $0xC8;
	vm6 =	vlt.u32 v14, $0xC8  }
0x7c: {  	vm14 =	vlt.u32 v22, $0xC8;
	v8 =	vsel vm1, v11, v9;
	v11 =	vsel vm2, v16, v12  }
0x7d: {  	v10 =	vsel vm3, v13, v10;
	v12 =	vand.u32 $0x7F, v7;
	v7 =	vshll.u32 v7, $0x3  }
0x7e: {  	v6 =	vand.u32 $0x7800, v6;
	v9 =	vsel vm6, v14, v15;
	v13 =	vsel vm4, v20, v19  }
0x7f: {  	v14 =	vsel vm5, v17, v18;
	v15 =	vsel vm14, v22, v21;
	v16 =	vand.u32 $0x7F, v8  }
0x80: {  	v17 =	vand.u32 $0x7F, v11;
	v18 =	vand.u32 $0x7F, v10;
	v8 =	vshll.u32 v8, $0x3  }
0x81: {  	v11 =	vshll.u32 v11, $0x3;
	v10 =	vshll.u32 v10, $0x3;
	v7 =	vand.u32 $0xFFFFFC00, v7  }
0x82: {  	v6 =	vor.u32 v4, v6;
	v19 =	vand.u32 $0x7F, v9;
	v20 =	vand.u32 $0x7F, v13  }
0x83: {  	v21 =	vand.u32 $0x7F, v14;
	v9 =	vshll.u32 v9, $0x3;
	v22 =	vand.u32 $0x7F, v15  }
0x84: {  	v13 =	vshll.u32 v13, $0x3;
	v8 =	vand.u32 $0xFFFFFC00, v8;
	v7 =	vadd.s32 v6, v7  }
0x85: {  	v11 =	vand.u32 $0xFFFFFC00, v11;
	v10 =	vand.u32 $0xFFFFFC00, v10;
	v7 =	vor.u32 v12, v7  }
0x86: {  	v8 =	vadd.s32 v6, v8;
	v9 =	vand.u32 $0xFFFFFC00, v9;
	v10 =	vadd.s32 v6, v10  }
0x87: {  	v13 =	vand.u32 $0xFFFFFC00, v13;
	v11 =	vadd.s32 v6, v11;
	v12 =	vshll.u32 v14, $0x3  }
0x88: {  	v14 =	vshll.u32 v15, $0x3;
	v8 =	vor.u32 v16, v8;
	v10 =	vor.u32 v18, v10  }
0x89: {  	s10 =	simm.s32 $0x8;
	v9 =	vadd.s32 v6, v9;
	v11 =	vor.u32 v17, v11;
	v13 =	vadd.s32 v6, v13  }
0x8a: {  	s9 =	simm.s32 $0xF;
	v15 =	vimm.f32 $0.0e+00;
	v16 =	vadd.s32 s10, v1;
	v17 =	vadd.s32 s10, v5;
	v7 =	vld.idx.msk [tilespmem:v7+s2+$0x0], $0xffff  }
0x8b: {  	v18 =	vadd.s32 s9, v5;
	v12 =	vand.u32 $0xFFFFFC00, v12;
	v9 =	vor.u32 v19, v9  }
0x8c: {  	s24 =	simm.s32 $0xE;
	v14 =	vand.u32 $0xFFFFFC00, v14;
	v13 =	vor.u32 v20, v13;
	v12 =	vadd.s32 v6, v12  }
0x8d: {  	s10 =	simm.s32 $0xD;
	v19 =	vadd.s32 s24, v5;
	v14 =	vadd.s32 v6, v14;
	v12 =	vor.u32 v21, v12;
	v8 =	vld.idx.msk [tilespmem:v8+s2+$0x0], $0xffff  }
0x8e: {  	v20 =	vadd.s32 s9, v1;
	s9 =	simm.s32 $0xC;
	v25 =	vadd.s32 s10, v1;
	v14 =	vor.u32 v22, v14;
	v10 =	vld.idx.msk [tilespmem:v10+s2+$0x0], $0xffff  }
0x8f: {  	vm15 =	vlt.u32 v16, $0xC8;
	v23 =	vadd.s32 s9, v1;
	v11 =	vld.idx.msk [tilespmem:v11+s2+$0x0], $0xffff;
	v7 =	vshll.u32 v7, $0x4  }
0x90: {  	v24 =	vadd.s32 s9, v5;
	vm9 =	vlt.u32 v20, $0xC8;
	v9 =	vld.idx.msk [tilespmem:v9+s2+$0x0], $0xffff;
	v7 =	vor.u32 v0, v7  }
0x91: {  	vm10 =	vlt.u32 v25, $0xC8;
	v21 =	vadd.s32 s10, v5;
	v22 =	vadd.s32 s24, v1;
	s24 =	simm.s32 $0xB;
	v13 =	vld.idx.msk [tilespmem:v13+s2+$0x0], $0xffff  }
0x92: {  	vm14 =	vlt.u32 v23, $0xC8;
	v26 =	vadd.s32 s24, v1;
	v12 =	vld.idx.msk [tilespmem:v12+s2+$0x0], $0xffff;
	v8 =	vshll.u32 v8, $0x4  }
0x93: {  	s10 =	simm.s32 $0xA;
	v27 =	vadd.s32 s24, v5;
	v14 =	vld.idx.msk [tilespmem:v14+s2+$0x0], $0xffff;
	v10 =	vshll.u32 v10, $0x4;
	v30 =	vor.u32 v0, v8  }
0x94: {  	v28 =	vadd.s32 s10, v5;
	v8 =	vshll.u32 v11, $0x4;
	v31 =	vor.u32 v0, v10  }
0x95: {  	vm11 =	vlt.u32 v22, $0xC8;
	v9 =	vshll.u32 v9, $0x4;
	v32 =	vor.u32 v0, v8;
	v33 =	vld.idx.msk [tilespmem:v7+s28+$0x0], $0xffff  }
0x96: {  	vm13 =	vlt.u32 v26, $0xC8;
	v34 =	vor.u32 v0, v9;
	v9 =	vshll.u32 v13, $0x4;
	v35 =	vld.idx.msk [tilespmem:v7+s29+$0x0], $0xffff  }
0x97: {  	v19 =	vsel vm11, v22, v19;
	v8 =	vshll.u32 v12, $0x4;
	v38 =	vor.u32 v0, v9;
	v37 =	vld.idx.msk [tilespmem:v7+s30+$0x0], $0xffff  }
0x98: {  	v22 =	vsel vm13, v26, v27;
	v36 =	vor.u32 v0, v8;
	v8 =	vshll.u32 v14, $0x4;
	v7 =	vld.idx.msk [tilespmem:v30+s28+$0x0], $0xffff  }
0x99: {  	s24 =	simm.s32 $0x9;
	v29 =	vadd.s32 s10, v1;
	v43 =	vshll.u32 v22, $0x3;
	v13 =	vor.u32 v0, v8;
	v8 =	vld.idx.msk [tilespmem:v31+s28+$0x0], $0xffff  }
0x9a: {  	vm12 =	vlt.u32 v29, $0xC8;
	v61 =	vand.u32 $0xFFFFFC00, v43;
	v10 =	vadd.s32 s24, v5;
	v39 =	vld.idx.msk [tilespmem:v32+s28+$0x0], $0xffff  }
0x9b: {  	v11 =	vadd.s32 s24, v1;
	v9 =	vsel vm15, v16, v17;
	v12 =	vsel vm9, v20, v18;
	v18 =	vld.idx.msk [tilespmem:v34+s28+$0x0], $0xffff  }
0x9c: {  	vm15 =	vlt.u32 v11, $0xC8;
	v16 =	vsel vm14, v23, v24;
	v17 =	vsel vm10, v25, v21;
	v24 =	vld.idx.msk [tilespmem:v38+s28+$0x0], $0xffff  }
0x9d: {  	v21 =	vsel vm12, v29, v28;
	v23 =	vand.u32 $0x7F, v9;
	v25 =	vshll.u32 v9, $0x3;
	v42 =	vld.idx.msk [tilespmem:v38+s29+$0x0], $0xffff  }
0x9e: {  	v26 =	vsel vm15, v11, v10;
	v28 =	vand.u32 $0x7F, v12;
	v9 =	vand.u32 $0x7F, v17;
	v27 =	vld.idx.msk [tilespmem:v13+s28+$0x0], $0xffff  }
0x9f: {  	v14 =	vand.u32 $0x7F, v19;
	v29 =	vshll.u32 v12, $0x3;
	v12 =	vand.u32 $0x7F, v16;
	v40 =	vld.idx.msk [tilespmem:v13+s29+$0x0], $0xffff  }
0xa0: {  	v17 =	vshll.u32 v17, $0x3;
	v19 =	vshll.u32 v19, $0x3;
	v10 =	vand.u32 $0x7F, v21;
	v41 =	vld.idx.msk [tilespmem:v13+s30+$0x0], $0xffff  }
0xa1: {  	v16 =	vshll.u32 v16, $0x3;
	v21 =	vshll.u32 v21, $0x3;
	v11 =	vand.u32 $0x7F, v26;
	v38 =	vld.idx.msk [tilespmem:v38+s30+$0x0], $0xffff  }
0xa2: {  	v25 =	vand.u32 $0xFFFFFC00, v25;
	v20 =	vld.idx.msk [tilespmem:v36+s28+$0x0], $0xffff;
	v13 =	vand.u32 $0x7F, v22;
	v22 =	vadd.f32 v33, v15  }
0xa3: {  	v26 =	vshll.u32 v26, $0x3;
	v59 =	vld.idx.msk [tilespmem:v36+s29+$0x0], $0xffff;
	v35 =	vadd.f32 v35, v15;
	v15 =	vadd.f32 v37, v15  }
0xa4: {  	v60 =	vand.u32 $0xFFFFFC00, v17;
	v44 =	vand.u32 $0xFFFFFC00, v19;
	v36 =	vld.idx.msk [tilespmem:v36+s30+$0x0], $0xffff;
	v17 =	vadd.f32 v27, v22  }
0xa5: {  	v46 =	vand.u32 $0xFFFFFC00, v16;
	v45 =	vld.idx.msk [tilespmem:v34+s29+$0x0], $0xffff;
	v16 =	vadd.f32 v40, v35;
	v19 =	vadd.f32 v41, v15  }
0xa6: {  	v29 =	vand.u32 $0xFFFFFC00, v29;
	v25 =	vadd.s32 v6, v25;
	v34 =	vld.idx.msk [tilespmem:v34+s30+$0x0], $0xffff;
	v24 =	vadd.f32 v24, v17  }
0xa7: {  	v62 =	vadd.s32 v6, v29;
	v15 =	vld.idx.msk [tilespmem:v32+s29+$0x0], $0xffff;
	v27 =	vadd.f32 v42, v16;
	v19 =	vadd.f32 v38, v19  }
0xa8: {  	v22 =	vand.u32 $0xFFFFFC00, v21;
	v21 =	vand.u32 $0xFFFFFC00, v26;
	v17 =	vld.idx.msk [tilespmem:v32+s30+$0x0], $0xffff;
	v20 =	vadd.f32 v20, v24  }
0xa9: {  	v26 =	vor.u32 v23, v25;
	v16 =	vld.idx.msk [tilespmem:v31+s29+$0x0], $0xffff;
	v23 =	vadd.f32 v59, v27;
	v25 =	vadd.f32 v36, v19  }
0xaa: {  	v29 =	vadd.s32 v6, v46;
	v28 =	vor.u32 v28, v62;
	v19 =	vld.idx.msk [tilespmem:v31+s30+$0x0], $0xffff;
	v63 =	vadd.f32 v18, v20  }
0xab: {  	v27 =	vadd.s32 v6, v60;
	v18 =	vld.idx.msk [tilespmem:v30+s29+$0x0], $0xffff;
	v24 =	vadd.f32 v45, v23;
	v23 =	vadd.f32 v34, v25  }
0xac: {  	s24 =	simm.s32 $0x10;
	v31 =	vadd.s32 v6, v44;
	v20 =	vld.idx.msk [tilespmem:v30+s30+$0x0], $0xffff;
	v30 =	vadd.s32 v6, v61;
	v25 =	vadd.f32 v39, v63  }
.LBB2_7:
0xad: {  	p0 =	slt.u32 s24, $0xC0;
	v14 =	vor.u32 v14, v31;
	v15 =	vadd.f32 v15, v24;
	v17 =	vadd.f32 v17, v23  }
0xae: {  	v22 =	vadd.s32 v6, v22;
	v9 =	vor.u32 v9, v27;
	v23 =	vld.idx.msk [tilespmem:v26+s2+$0x0], $0xffff;
	v8 =	vadd.f32 v8, v25  }
0xaf: {  	v12 =	vor.u32 v12, v29;
	v15 =	vadd.f32 v16, v15;
	v16 =	vadd.f32 v19, v17  }
0xb0: {  	v13 =	vor.u32 v13, v30;
	v17 =	vadd.s32 v6, v21;
	v19 =	vadd.f32 v7, v8  }
0xb1: {  	v7 =	vor.u32 v10, v22;
	v8 =	vld.idx.msk [tilespmem:v28+s2+$0x0], $0xffff;
	v15 =	vadd.f32 v18, v15;
	v16 =	vadd.f32 v20, v16  }
0xb2: {  	s4 =	sadd.s32 $0x7, s24;
	v10 =	vor.u32 v11, v17;
	v11 =	vld.idx.msk [tilespmem:v14+s2+$0x0], $0xffff  }
0xb3: {  	s9 =	sadd.s32 $0x6, s24;
	v17 =	vadd.s32 s24, v5;
	v18 =	vadd.s32 s4, v5;
	v14 =	vadd.s32 s24, v1;
	v9 =	vld.idx.msk [tilespmem:v9+s2+$0x0], $0xffff  }
0xb4: {  	s10 =	sadd.s32 $0x5, s24;
	v21 =	vadd.s32 s4, v1;
	v20 =	vadd.s32 s9, v5;
	v22 =	vshll.u32 v23, $0x4;
	v12 =	vld.idx.msk [tilespmem:v12+s2+$0x0], $0xffff  }
0xb5: {  	v24 =	vadd.s32 s9, v1;
	s4 =	sadd.s32 $0x4, s24;
	v23 =	vadd.s32 s10, v5;
	v22 =	vor.u32 v0, v22;
	v13 =	vld.idx.msk [tilespmem:v13+s2+$0x0], $0xffff  }
0xb6: {  	v27 =	vadd.s32 s10, v1;
	s9 =	sadd.s32 $0x3, s24;
	v25 =	vadd.s32 s4, v1;
	v26 =	vadd.s32 s4, v5;
	v7 =	vld.idx.msk [tilespmem:v7+s2+$0x0], $0xffff  }
0xb7: {  	s4 =	sadd.s32 $0x2, s24;
	v28 =	vadd.s32 s9, v1;
	v29 =	vadd.s32 s9, v5;
	v8 =	vshll.u32 v8, $0x4;
	v10 =	vld.idx.msk [tilespmem:v10+s2+$0x0], $0xffff  }
0xb8: {  	v30 =	vadd.s32 s4, v5;
	v11 =	vshll.u32 v11, $0x4;
	v32 =	vor.u32 v0, v8  }
0xb9: {  	s9 =	sadd.s32 $0x1, s24;
	v31 =	vadd.s32 s4, v1;
	v8 =	vshll.u32 v9, $0x4;
	v33 =	vor.u32 v0, v11  }
0xba: {  	v9 =	vadd.s32 s9, v5;
	v11 =	vshll.u32 v12, $0x4;
	v35 =	vor.u32 v0, v8;
	v34 =	vld.idx.msk [tilespmem:v22+s28+$0x0], $0xffff  }
0xbb: {  	v12 =	vadd.s32 s9, v1;
	v8 =	vshll.u32 v13, $0x4;
	v37 =	vor.u32 v0, v11;
	v36 =	vld.idx.msk [tilespmem:v22+s29+$0x0], $0xffff  }
0xbc: {  	vm0 =	vlt.u32 v14, $0xC8;
	v7 =	vshll.u32 v7, $0x4;
	v38 =	vor.u32 v0, v8;
	v22 =	vld.idx.msk [tilespmem:v22+s30+$0x0], $0xffff  }
0xbd: {  	vm1 =	vlt.u32 v21, $0xC8;
	v8 =	vshll.u32 v10, $0x4;
	v39 =	vor.u32 v0, v7;
	v7 =	vld.idx.msk [tilespmem:v32+s28+$0x0], $0xffff  }
0xbe: {  	vm2 =	vlt.u32 v27, $0xC8;
	vm3 =	vlt.u32 v24, $0xC8;
	v10 =	vor.u32 v0, v8;
	v8 =	vld.idx.msk [tilespmem:v33+s28+$0x0], $0xffff  }
0xbf: {  	vm5 =	vlt.u32 v28, $0xC8;
	vm6 =	vlt.u32 v25, $0xC8;
	vm4 =	vlt.u32 v31, $0xC8;
	v40 =	vld.idx.msk [tilespmem:v35+s28+$0x0], $0xffff  }
0xc0: {  	v11 =	vsel vm0, v14, v17;
	vm0 =	vlt.u32 v12, $0xC8;
	v13 =	vsel vm1, v21, v18;
	v18 =	vld.idx.msk [tilespmem:v37+s28+$0x0], $0xffff  }
0xc1: {  	v20 =	vsel vm3, v24, v20;
	v17 =	vsel vm6, v25, v26;
	v21 =	vsel vm2, v27, v23;
	v23 =	vld.idx.msk [tilespmem:v38+s28+$0x0], $0xffff  }
0xc2: {  	v25 =	vsel vm4, v31, v30;
	v26 =	vsel vm5, v28, v29;
	v24 =	vand.u32 $0x7F, v11;
	v27 =	vld.idx.msk [tilespmem:v39+s28+$0x0], $0xffff  }
0xc3: {  	v28 =	vshll.u32 v11, $0x3;
	v29 =	vsel vm0, v12, v9;
	v41 =	vand.u32 $0x7F, v13;
	v30 =	vld.idx.msk [tilespmem:v10+s28+$0x0], $0xffff  }
0xc4: {  	v14 =	vand.u32 $0x7F, v20;
	v9 =	vand.u32 $0x7F, v21;
	v31 =	vshll.u32 v13, $0x3;
	v42 =	vld.idx.msk [tilespmem:v10+s29+$0x0], $0xffff  }
0xc5: {  	v20 =	vshll.u32 v20, $0x3;
	v12 =	vand.u32 $0x7F, v17;
	v21 =	vshll.u32 v21, $0x3;
	v43 =	vld.idx.msk [tilespmem:v10+s30+$0x0], $0xffff  }
0xc6: {  	v13 =	vand.u32 $0x7F, v26;
	v17 =	vshll.u32 v17, $0x3;
	v10 =	vand.u32 $0x7F, v25;
	v44 =	vld.idx.msk [tilespmem:v39+s29+$0x0], $0xffff  }
0xc7: {  	v26 =	vshll.u32 v26, $0x3;
	v11 =	vand.u32 $0x7F, v29;
	v25 =	vshll.u32 v25, $0x3;
	v39 =	vld.idx.msk [tilespmem:v39+s30+$0x0], $0xffff  }
0xc8: {  	v28 =	vand.u32 $0xFFFFFC00, v28;
	v29 =	vshll.u32 v29, $0x3;
	v19 =	vadd.f32 v34, v19;
	v34 =	vld.idx.msk [tilespmem:v38+s29+$0x0], $0xffff  }
0xc9: {  	v31 =	vand.u32 $0xFFFFFC00, v31;
	v15 =	vadd.f32 v36, v15;
	v16 =	vadd.f32 v22, v16;
	v36 =	vld.idx.msk [tilespmem:v38+s30+$0x0], $0xffff  }
0xca: {  	v20 =	vand.u32 $0xFFFFFC00, v20;
	v19 =	vadd.f32 v30, v19;
	v38 =	vand.u32 $0xFFFFFC00, v21;
	v30 =	vld.idx.msk [tilespmem:v37+s29+$0x0], $0xffff  }
0xcb: {  	v45 =	vand.u32 $0xFFFFFC00, v17;
	v17 =	vadd.f32 v42, v15;
	v16 =	vadd.f32 v43, v16;
	v37 =	vld.idx.msk [tilespmem:v37+s30+$0x0], $0xffff  }
0xcc: {  	v22 =	vand.u32 $0xFFFFFC00, v25;
	v25 =	vand.u32 $0xFFFFFC00, v26;
	v19 =	vadd.f32 v27, v19;
	v15 =	vld.idx.msk [tilespmem:v35+s29+$0x0], $0xffff  }
0xcd: {  	v21 =	vand.u32 $0xFFFFFC00, v29;
	v27 =	vadd.f32 v44, v17;
	v29 =	vadd.f32 v39, v16;
	v17 =	vld.idx.msk [tilespmem:v35+s30+$0x0], $0xffff  }
.Ltmp2:
0xce: {  	v26 =	vadd.s32 v6, v28;
	v28 =	vadd.s32 v6, v31;
	v23 =	vadd.f32 v23, v19;
	v16 =	vld.idx.msk [tilespmem:v33+s29+$0x0], $0xffff;
	(pc) =	sbr.rel @p0 .LBB2_7-.Ltmp2, $4  }
0xcf: {  	v26 =	vor.u32 v24, v26;
	v24 =	vadd.f32 v34, v27;
	v34 =	vadd.f32 v36, v29;
	v19 =	vld.idx.msk [tilespmem:v33+s30+$0x0], $0xffff  }
0xd0: {  	v31 =	vadd.s32 v6, v20;
	v27 =	vadd.s32 v6, v38;
	v33 =	vadd.f32 v18, v23;
	v18 =	vld.idx.msk [tilespmem:v32+s29+$0x0], $0xffff  }
0xd1: {  	v29 =	vadd.s32 v6, v45;
	v24 =	vadd.f32 v30, v24;
	v23 =	vadd.f32 v37, v34;
	v20 =	vld.idx.msk [tilespmem:v32+s30+$0x0], $0xffff  }
0xd2: {  	s24 =	sadd.s32 $0x8, s24;
	v28 =	vor.u32 v41, v28;
	v30 =	vadd.s32 v6, v25;
	v25 =	vadd.f32 v40, v33  }
0xd3: {  	_ =	sdelay $0x2  }
0xd4: {  	v14 =	vor.u32 v14, v31  }
0xd5: {  	v26 =	vld.idx.msk [tilespmem:v26+s2+$0x0], $0xffff;
	v9 =	vor.u32 v9, v27  }
0xd6: {  	v12 =	vor.u32 v12, v29  }
0xd7: {  	v22 =	vadd.s32 v6, v22;
	v13 =	vor.u32 v13, v30  }
0xd8: {  	v6 =	vadd.s32 v6, v21;
	v44 =	vld.idx.msk [tilespmem:v28+s2+$0x0], $0xffff;
	v10 =	vor.u32 v10, v22  }
0xd9: {  	v6 =	vor.u32 v11, v6;
	v45 =	vld.idx.msk [tilespmem:v14+s2+$0x0], $0xffff  }
0xda: {  	v9 =	vld.idx.msk [tilespmem:v9+s2+$0x0], $0xffff;
	v46 =	vshll.u32 v26, $0x4  }
0xdb: {  	v12 =	vld.idx.msk [tilespmem:v12+s2+$0x0], $0xffff;
	v14 =	vor.u32 v0, v46  }
0xdc: {  	v13 =	vld.idx.msk [tilespmem:v13+s2+$0x0], $0xffff  }
0xdd: {  	v21 =	vshll.u32 v44, $0x4;
	v10 =	vld.idx.msk [tilespmem:v10+s2+$0x0], $0xffff  }
0xde: {  	v6 =	vld.idx.msk [tilespmem:v6+s2+$0x0], $0xffff;
	v21 =	vor.u32 v0, v21;
	v11 =	vshll.u32 v45, $0x4  }
0xdf: {  	v9 =	vshll.u32 v9, $0x4;
	v11 =	vor.u32 v0, v11  }
0xe0: {  	v12 =	vshll.u32 v12, $0x4;
	v47 =	vld.idx.msk [tilespmem:v14+s28+$0x0], $0xffff;
	v9 =	vor.u32 v0, v9  }
0xe1: {  	v13 =	vshll.u32 v13, $0x4;
	v48 =	vld.idx.msk [tilespmem:v14+s29+$0x0], $0xffff;
	v12 =	vor.u32 v0, v12  }
0xe2: {  	v14 =	vld.idx.msk [tilespmem:v14+s30+$0x0], $0xffff;
	v10 =	vshll.u32 v10, $0x4;
	v13 =	vor.u32 v0, v13  }
0xe3: {  	v6 =	vshll.u32 v6, $0x4;
	v49 =	vld.idx.msk [tilespmem:v21+s28+$0x0], $0xffff;
	v10 =	vor.u32 v0, v10  }
0xe4: {  	v6 =	vor.u32 v0, v6;
	v50 =	vld.idx.msk [tilespmem:v11+s28+$0x0], $0xffff  }
0xe5: {  	v51 =	vld.idx.msk [tilespmem:v9+s28+$0x0], $0xffff  }
0xe6: {  	v52 =	vld.idx.msk [tilespmem:v12+s28+$0x0], $0xffff  }
0xe7: {  	v15 =	vadd.f32 v15, v24;
	v53 =	vld.idx.msk [tilespmem:v13+s28+$0x0], $0xffff  }
0xe8: {  	v17 =	vadd.f32 v17, v23;
	v8 =	vadd.f32 v8, v25;
	v54 =	vld.idx.msk [tilespmem:v10+s28+$0x0], $0xffff  }
0xe9: {  	v15 =	vadd.f32 v16, v15;
	v55 =	vld.idx.msk [tilespmem:v6+s28+$0x0], $0xffff  }
0xea: {  	v17 =	vadd.f32 v19, v17;
	v7 =	vadd.f32 v7, v8;
	v56 =	vld.idx.msk [tilespmem:v6+s29+$0x0], $0xffff  }
0xeb: {  	v15 =	vadd.f32 v18, v15;
	v6 =	vld.idx.msk [tilespmem:v6+s30+$0x0], $0xffff  }
0xec: {  	v17 =	vadd.f32 v20, v17;
	v7 =	vadd.f32 v47, v7;
	v57 =	vld.idx.msk [tilespmem:v10+s29+$0x0], $0xffff  }
0xed: {  	v15 =	vadd.f32 v48, v15;
	v10 =	vld.idx.msk [tilespmem:v10+s30+$0x0], $0xffff  }
0xee: {  	v58 =	vld.idx.msk [tilespmem:v13+s29+$0x0], $0xffff;
	v14 =	vadd.f32 v14, v17;
	v7 =	vadd.f32 v55, v7  }
0xef: {  	v13 =	vld.idx.msk [tilespmem:v13+s30+$0x0], $0xffff;
	v8 =	vadd.f32 v56, v15  }
0xf0: {  	v59 =	vld.idx.msk [tilespmem:v12+s29+$0x0], $0xffff;
	v6 =	vadd.f32 v6, v14;
	v7 =	vadd.f32 v54, v7  }
0xf1: {  	v12 =	vld.idx.msk [tilespmem:v12+s30+$0x0], $0xffff;
	v8 =	vadd.f32 v57, v8  }
0xf2: {  	v60 =	vld.idx.msk [tilespmem:v9+s29+$0x0], $0xffff;
	v6 =	vadd.f32 v10, v6;
	v7 =	vadd.f32 v53, v7  }
0xf3: {  	v9 =	vld.idx.msk [tilespmem:v9+s30+$0x0], $0xffff;
	v8 =	vadd.f32 v58, v8  }
0xf4: {  	v61 =	vld.idx.msk [tilespmem:v11+s29+$0x0], $0xffff;
	v6 =	vadd.f32 v13, v6;
	v7 =	vadd.f32 v52, v7  }
0xf5: {  	v11 =	vld.idx.msk [tilespmem:v11+s30+$0x0], $0xffff;
	v8 =	vadd.f32 v59, v8  }
0xf6: {  	v62 =	vld.idx.msk [tilespmem:v21+s29+$0x0], $0xffff;
	v6 =	vadd.f32 v12, v6;
	v7 =	vadd.f32 v51, v7  }
0xf7: {  	v63 =	vld.idx.msk [tilespmem:v21+s30+$0x0], $0xffff;
	v8 =	vadd.f32 v60, v8  }
0xf8: {  	s7 =	sadd.s32 $0x1, s7;
	v6 =	vadd.f32 v9, v6;
	v7 =	vadd.f32 v50, v7  }
0xf9: {  	p0 =	sne.s32 s7, $0x8;
	v8 =	vadd.f32 v61, v8  }
.Ltmp3:
0xfa: {  	v6 =	vadd.f32 v11, v6;
	v7 =	vadd.f32 v49, v7;
	(pc) =	sbr.rel @p0 .LBB2_6-.Ltmp3, $4  }
0xfb: {  	v8 =	vadd.f32 v62, v8  }
0xfc: {  	v6 =	vadd.f32 v63, v6;
	[tilespmem:s8+$0x10000] =	vst v7  }
0xfd: {  	[tilespmem:s8+$0x10100] =	vst v8  }
0xfe: {  	[tilespmem:s8+$0x10200] =	vst v6  }
0xff: {  	s3 =	simm.s32 $0x0;
	s4 =	rddreg [dreg:$0x6]  }
0x100: {  	[hbm4b:s4+s3] =	stream.linear.scatter [tilespmem:s31], [sflag:$0x3], $0x80, $0x38;
	[tilespmem:$0x12100] =	vst v63  }
0x101: {  	s8 =	rddreg [dreg:$0x7];
	s7 =	simm.s32 $0x10100  }
0x102: {  	[hbm4b:s8+s3] =	stream.linear.scatter [tilespmem:s7], [sflag:$0x3], $0x80, $0x38;
	[tilespmem:$0x12100] =	vst v63  }
0x103: {  	s9 =	rddreg [dreg:$0x8];
	s10 =	simm.s32 $0x10200  }
0x104: {  	[hbm4b:s9+s3] =	stream.linear.scatter [tilespmem:s10], [sflag:$0x3], $0x80, $0x38;
	[tilespmem:$0x12100] =	vst v63  }
0x105: {  	_ =	swait.ge [sflag:s1], $0x8000  }
0x106: {  	[sflag:s1] =	ssyncset.done $0x0  }
0x107: {  	s7 =	simm.s32 $0x0;
	s24 =	rddreg [dreg:$0x9];
	[sflag:s1] =	ssyncadd.s32 $0xFFFF8000  }
0x108: {  	[tilespmem:s3], [sflag:$0x1] =	stream.linear.gather [hbm4b:s24+s3], $0x8000, $0x38;
	[tilespmem:$0x12100] =	vst v63  }
.LBB2_10:
0x109: {  	s8 =	sshll.u32 s7, $0x4  }
0x10a: {  	s4 =	simm.s32 $0x7;
	v7 =	vadd.s32 s3, v1;
	s9 =	simm.s32 $0x6;
	v8 =	vadd.s32 s3, v5;
	v6 =	vmov s8  }
0x10b: {  	s10 =	simm.s32 $0x5;
	v9 =	vadd.s32 s4, v5;
	v10 =	vadd.s32 s9, v5;
	v11 =	vadd.s32 s4, v1  }
0x10c: {  	s24 =	simm.s32 $0x3;
	v12 =	vadd.s32 s10, v5;
	v13 =	vadd.s32 s9, v1;
	v16 =	vadd.s32 s10, v1  }
0x10d: {  	s4 =	simm.s32 $0x4;
	v17 =	vadd.s32 s24, v1;
	v18 =	vadd.s32 s24, v5;
	vm0 =	vlt.u32 v7, $0xC8  }
0x10e: {  	s10 =	simm.s32 $0x2;
	s24 =	simm.s32 $0x1;
	v6 =	vshll.u32 v6, $0x8;
	v14 =	vadd.s32 s4, v1;
	v15 =	vadd.s32 s4, v5  }
0x10f: {  	v19 =	vadd.s32 s10, v5;
	v20 =	vadd.s32 s10, v1;
	v21 =	vadd.s32 s24, v5  }
0x110: {  	v22 =	vadd.s32 s24, v1;
	vm1 =	vlt.u32 v11, $0xC8;
	vm2 =	vlt.u32 v16, $0xC8  }
0x111: {  	vm3 =	vlt.u32 v13, $0xC8;
	vm5 =	vlt.u32 v17, $0xC8;
	v7 =	vsel vm0, v7, v8  }
0x112: {  	v6 =	vor.u32 v3, v6;
	vm4 =	vlt.u32 v20, $0xC8;
	vm6 =	vlt.u32 v14, $0xC8  }
0x113: {  	vm14 =	vlt.u32 v22, $0xC8;
	v8 =	vsel vm1, v11, v9;
	v11 =	vsel vm2, v16, v12  }
0x114: {  	v10 =	vsel vm3, v13, v10;
	v12 =	vand.u32 $0x7F, v7;
	v7 =	vshll.u32 v7, $0x3  }
0x115: {  	v6 =	vand.u32 $0x7800, v6;
	v9 =	vsel vm6, v14, v15;
	v13 =	vsel vm4, v20, v19  }
0x116: {  	v14 =	vsel vm5, v17, v18;
	v15 =	vsel vm14, v22, v21;
	v16 =	vand.u32 $0x7F, v8  }
0x117: {  	v17 =	vand.u32 $0x7F, v11;
	v18 =	vand.u32 $0x7F, v10;
	v8 =	vshll.u32 v8, $0x3  }
0x118: {  	v11 =	vshll.u32 v11, $0x3;
	v10 =	vshll.u32 v10, $0x3;
	v7 =	vand.u32 $0xFFFFFC00, v7  }
0x119: {  	v6 =	vor.u32 v4, v6;
	v19 =	vand.u32 $0x7F, v9;
	v20 =	vand.u32 $0x7F, v13  }
0x11a: {  	v21 =	vand.u32 $0x7F, v14;
	v9 =	vshll.u32 v9, $0x3;
	v22 =	vand.u32 $0x7F, v15  }
0x11b: {  	v13 =	vshll.u32 v13, $0x3;
	v8 =	vand.u32 $0xFFFFFC00, v8;
	v7 =	vadd.s32 v6, v7  }
0x11c: {  	v11 =	vand.u32 $0xFFFFFC00, v11;
	v10 =	vand.u32 $0xFFFFFC00, v10;
	v7 =	vor.u32 v12, v7  }
0x11d: {  	v8 =	vadd.s32 v6, v8;
	v9 =	vand.u32 $0xFFFFFC00, v9;
	v10 =	vadd.s32 v6, v10  }
0x11e: {  	v13 =	vand.u32 $0xFFFFFC00, v13;
	v11 =	vadd.s32 v6, v11;
	v12 =	vshll.u32 v14, $0x3  }
0x11f: {  	v14 =	vshll.u32 v15, $0x3;
	v8 =	vor.u32 v16, v8;
	v10 =	vor.u32 v18, v10  }
0x120: {  	s10 =	simm.s32 $0x8;
	v9 =	vadd.s32 v6, v9;
	v11 =	vor.u32 v17, v11;
	v13 =	vadd.s32 v6, v13  }
0x121: {  	s9 =	simm.s32 $0xF;
	v15 =	vimm.f32 $0.0e+00;
	v16 =	vadd.s32 s10, v1;
	v17 =	vadd.s32 s10, v5;
	v7 =	vld.idx.msk [tilespmem:v7+s26+$0x0], $0xffff  }
0x122: {  	v18 =	vadd.s32 s9, v5;
	v12 =	vand.u32 $0xFFFFFC00, v12;
	v9 =	vor.u32 v19, v9  }
0x123: {  	s24 =	simm.s32 $0xE;
	v14 =	vand.u32 $0xFFFFFC00, v14;
	v13 =	vor.u32 v20, v13;
	v12 =	vadd.s32 v6, v12  }
0x124: {  	s10 =	simm.s32 $0xD;
	v19 =	vadd.s32 s24, v5;
	v14 =	vadd.s32 v6, v14;
	v12 =	vor.u32 v21, v12;
	v8 =	vld.idx.msk [tilespmem:v8+s26+$0x0], $0xffff  }
0x125: {  	v20 =	vadd.s32 s9, v1;
	s9 =	simm.s32 $0xC;
	v25 =	vadd.s32 s10, v1;
	v14 =	vor.u32 v22, v14;
	v10 =	vld.idx.msk [tilespmem:v10+s26+$0x0], $0xffff  }
0x126: {  	vm15 =	vlt.u32 v16, $0xC8;
	v23 =	vadd.s32 s9, v1;
	v11 =	vld.idx.msk [tilespmem:v11+s26+$0x0], $0xffff;
	v7 =	vshll.u32 v7, $0x4  }
0x127: {  	v24 =	vadd.s32 s9, v5;
	vm9 =	vlt.u32 v20, $0xC8;
	v9 =	vld.idx.msk [tilespmem:v9+s26+$0x0], $0xffff;
	v7 =	vor.u32 v0, v7  }
0x128: {  	vm10 =	vlt.u32 v25, $0xC8;
	v21 =	vadd.s32 s10, v5;
	v22 =	vadd.s32 s24, v1;
	s24 =	simm.s32 $0xB;
	v13 =	vld.idx.msk [tilespmem:v13+s26+$0x0], $0xffff  }
0x129: {  	vm14 =	vlt.u32 v23, $0xC8;
	v26 =	vadd.s32 s24, v1;
	v12 =	vld.idx.msk [tilespmem:v12+s26+$0x0], $0xffff;
	v8 =	vshll.u32 v8, $0x4  }
0x12a: {  	s10 =	simm.s32 $0xA;
	v27 =	vadd.s32 s24, v5;
	v14 =	vld.idx.msk [tilespmem:v14+s26+$0x0], $0xffff;
	v10 =	vshll.u32 v10, $0x4;
	v30 =	vor.u32 v0, v8  }
0x12b: {  	v28 =	vadd.s32 s10, v5;
	v8 =	vshll.u32 v11, $0x4;
	v31 =	vor.u32 v0, v10  }
0x12c: {  	vm11 =	vlt.u32 v22, $0xC8;
	v9 =	vshll.u32 v9, $0x4;
	v32 =	vor.u32 v0, v8;
	v33 =	vld.idx.msk [tilespmem:v7+s28+$0x0], $0xffff  }
0x12d: {  	vm13 =	vlt.u32 v26, $0xC8;
	v34 =	vor.u32 v0, v9;
	v9 =	vshll.u32 v13, $0x4;
	v35 =	vld.idx.msk [tilespmem:v7+s29+$0x0], $0xffff  }
0x12e: {  	v19 =	vsel vm11, v22, v19;
	v8 =	vshll.u32 v12, $0x4;
	v38 =	vor.u32 v0, v9;
	v37 =	vld.idx.msk [tilespmem:v7+s30+$0x0], $0xffff  }
0x12f: {  	v22 =	vsel vm13, v26, v27;
	v36 =	vor.u32 v0, v8;
	v8 =	vshll.u32 v14, $0x4;
	v7 =	vld.idx.msk [tilespmem:v30+s28+$0x0], $0xffff  }
0x130: {  	s24 =	simm.s32 $0x9;
	v29 =	vadd.s32 s10, v1;
	v43 =	vshll.u32 v22, $0x3;
	v13 =	vor.u32 v0, v8;
	v8 =	vld.idx.msk [tilespmem:v31+s28+$0x0], $0xffff  }
0x131: {  	vm12 =	vlt.u32 v29, $0xC8;
	v61 =	vand.u32 $0xFFFFFC00, v43;
	v10 =	vadd.s32 s24, v5;
	v39 =	vld.idx.msk [tilespmem:v32+s28+$0x0], $0xffff  }
0x132: {  	v11 =	vadd.s32 s24, v1;
	v9 =	vsel vm15, v16, v17;
	v12 =	vsel vm9, v20, v18;
	v18 =	vld.idx.msk [tilespmem:v34+s28+$0x0], $0xffff  }
0x133: {  	vm15 =	vlt.u32 v11, $0xC8;
	v16 =	vsel vm14, v23, v24;
	v17 =	vsel vm10, v25, v21;
	v24 =	vld.idx.msk [tilespmem:v38+s28+$0x0], $0xffff  }
0x134: {  	v21 =	vsel vm12, v29, v28;
	v23 =	vand.u32 $0x7F, v9;
	v25 =	vshll.u32 v9, $0x3;
	v42 =	vld.idx.msk [tilespmem:v38+s29+$0x0], $0xffff  }
0x135: {  	v26 =	vsel vm15, v11, v10;
	v28 =	vand.u32 $0x7F, v12;
	v9 =	vand.u32 $0x7F, v17;
	v27 =	vld.idx.msk [tilespmem:v13+s28+$0x0], $0xffff  }
0x136: {  	v14 =	vand.u32 $0x7F, v19;
	v29 =	vshll.u32 v12, $0x3;
	v12 =	vand.u32 $0x7F, v16;
	v40 =	vld.idx.msk [tilespmem:v13+s29+$0x0], $0xffff  }
0x137: {  	v17 =	vshll.u32 v17, $0x3;
	v19 =	vshll.u32 v19, $0x3;
	v10 =	vand.u32 $0x7F, v21;
	v41 =	vld.idx.msk [tilespmem:v13+s30+$0x0], $0xffff  }
0x138: {  	v16 =	vshll.u32 v16, $0x3;
	v21 =	vshll.u32 v21, $0x3;
	v11 =	vand.u32 $0x7F, v26;
	v38 =	vld.idx.msk [tilespmem:v38+s30+$0x0], $0xffff  }
0x139: {  	v25 =	vand.u32 $0xFFFFFC00, v25;
	v20 =	vld.idx.msk [tilespmem:v36+s28+$0x0], $0xffff;
	v13 =	vand.u32 $0x7F, v22;
	v22 =	vadd.f32 v33, v15  }
0x13a: {  	v26 =	vshll.u32 v26, $0x3;
	v59 =	vld.idx.msk [tilespmem:v36+s29+$0x0], $0xffff;
	v35 =	vadd.f32 v35, v15;
	v15 =	vadd.f32 v37, v15  }
0x13b: {  	v60 =	vand.u32 $0xFFFFFC00, v17;
	v44 =	vand.u32 $0xFFFFFC00, v19;
	v36 =	vld.idx.msk [tilespmem:v36+s30+$0x0], $0xffff;
	v17 =	vadd.f32 v27, v22  }
0x13c: {  	v46 =	vand.u32 $0xFFFFFC00, v16;
	v45 =	vld.idx.msk [tilespmem:v34+s29+$0x0], $0xffff;
	v16 =	vadd.f32 v40, v35;
	v19 =	vadd.f32 v41, v15  }
0x13d: {  	v29 =	vand.u32 $0xFFFFFC00, v29;
	v25 =	vadd.s32 v6, v25;
	v34 =	vld.idx.msk [tilespmem:v34+s30+$0x0], $0xffff;
	v24 =	vadd.f32 v24, v17  }
0x13e: {  	v62 =	vadd.s32 v6, v29;
	v15 =	vld.idx.msk [tilespmem:v32+s29+$0x0], $0xffff;
	v27 =	vadd.f32 v42, v16;
	v19 =	vadd.f32 v38, v19  }
0x13f: {  	v22 =	vand.u32 $0xFFFFFC00, v21;
	v21 =	vand.u32 $0xFFFFFC00, v26;
	v17 =	vld.idx.msk [tilespmem:v32+s30+$0x0], $0xffff;
	v20 =	vadd.f32 v20, v24  }
0x140: {  	v26 =	vor.u32 v23, v25;
	v16 =	vld.idx.msk [tilespmem:v31+s29+$0x0], $0xffff;
	v23 =	vadd.f32 v59, v27;
	v25 =	vadd.f32 v36, v19  }
0x141: {  	v29 =	vadd.s32 v6, v46;
	v28 =	vor.u32 v28, v62;
	v19 =	vld.idx.msk [tilespmem:v31+s30+$0x0], $0xffff;
	v63 =	vadd.f32 v18, v20  }
0x142: {  	v27 =	vadd.s32 v6, v60;
	v18 =	vld.idx.msk [tilespmem:v30+s29+$0x0], $0xffff;
	v24 =	vadd.f32 v45, v23;
	v23 =	vadd.f32 v34, v25  }
0x143: {  	s24 =	simm.s32 $0x10;
	v31 =	vadd.s32 v6, v44;
	v20 =	vld.idx.msk [tilespmem:v30+s30+$0x0], $0xffff;
	v30 =	vadd.s32 v6, v61;
	v25 =	vadd.f32 v39, v63  }
.LBB2_11:
0x144: {  	p0 =	slt.u32 s24, $0xC0;
	v14 =	vor.u32 v14, v31;
	v15 =	vadd.f32 v15, v24;
	v17 =	vadd.f32 v17, v23  }
0x145: {  	v22 =	vadd.s32 v6, v22;
	v9 =	vor.u32 v9, v27;
	v23 =	vld.idx.msk [tilespmem:v26+s26+$0x0], $0xffff;
	v8 =	vadd.f32 v8, v25  }
0x146: {  	v12 =	vor.u32 v12, v29;
	v15 =	vadd.f32 v16, v15;
	v16 =	vadd.f32 v19, v17  }
0x147: {  	v13 =	vor.u32 v13, v30;
	v17 =	vadd.s32 v6, v21;
	v19 =	vadd.f32 v7, v8  }
0x148: {  	v7 =	vor.u32 v10, v22;
	v8 =	vld.idx.msk [tilespmem:v28+s26+$0x0], $0xffff;
	v15 =	vadd.f32 v18, v15;
	v16 =	vadd.f32 v20, v16  }
0x149: {  	s4 =	sadd.s32 $0x7, s24;
	v10 =	vor.u32 v11, v17;
	v11 =	vld.idx.msk [tilespmem:v14+s26+$0x0], $0xffff  }
0x14a: {  	s9 =	sadd.s32 $0x6, s24;
	v17 =	vadd.s32 s24, v5;
	v18 =	vadd.s32 s4, v5;
	v14 =	vadd.s32 s24, v1;
	v9 =	vld.idx.msk [tilespmem:v9+s26+$0x0], $0xffff  }
0x14b: {  	s10 =	sadd.s32 $0x5, s24;
	v21 =	vadd.s32 s4, v1;
	v20 =	vadd.s32 s9, v5;
	v22 =	vshll.u32 v23, $0x4;
	v12 =	vld.idx.msk [tilespmem:v12+s26+$0x0], $0xffff  }
0x14c: {  	v24 =	vadd.s32 s9, v1;
	s4 =	sadd.s32 $0x4, s24;
	v23 =	vadd.s32 s10, v5;
	v22 =	vor.u32 v0, v22;
	v13 =	vld.idx.msk [tilespmem:v13+s26+$0x0], $0xffff  }
0x14d: {  	v27 =	vadd.s32 s10, v1;
	s9 =	sadd.s32 $0x3, s24;
	v25 =	vadd.s32 s4, v1;
	v26 =	vadd.s32 s4, v5;
	v7 =	vld.idx.msk [tilespmem:v7+s26+$0x0], $0xffff  }
0x14e: {  	s4 =	sadd.s32 $0x2, s24;
	v28 =	vadd.s32 s9, v1;
	v29 =	vadd.s32 s9, v5;
	v8 =	vshll.u32 v8, $0x4;
	v10 =	vld.idx.msk [tilespmem:v10+s26+$0x0], $0xffff  }
0x14f: {  	v30 =	vadd.s32 s4, v5;
	v11 =	vshll.u32 v11, $0x4;
	v32 =	vor.u32 v0, v8  }
0x150: {  	s9 =	sadd.s32 $0x1, s24;
	v31 =	vadd.s32 s4, v1;
	v8 =	vshll.u32 v9, $0x4;
	v33 =	vor.u32 v0, v11  }
0x151: {  	v9 =	vadd.s32 s9, v5;
	v11 =	vshll.u32 v12, $0x4;
	v35 =	vor.u32 v0, v8;
	v34 =	vld.idx.msk [tilespmem:v22+s28+$0x0], $0xffff  }
0x152: {  	v12 =	vadd.s32 s9, v1;
	v8 =	vshll.u32 v13, $0x4;
	v37 =	vor.u32 v0, v11;
	v36 =	vld.idx.msk [tilespmem:v22+s29+$0x0], $0xffff  }
0x153: {  	vm0 =	vlt.u32 v14, $0xC8;
	v7 =	vshll.u32 v7, $0x4;
	v38 =	vor.u32 v0, v8;
	v22 =	vld.idx.msk [tilespmem:v22+s30+$0x0], $0xffff  }
0x154: {  	vm1 =	vlt.u32 v21, $0xC8;
	v8 =	vshll.u32 v10, $0x4;
	v39 =	vor.u32 v0, v7;
	v7 =	vld.idx.msk [tilespmem:v32+s28+$0x0], $0xffff  }
0x155: {  	vm2 =	vlt.u32 v27, $0xC8;
	vm3 =	vlt.u32 v24, $0xC8;
	v10 =	vor.u32 v0, v8;
	v8 =	vld.idx.msk [tilespmem:v33+s28+$0x0], $0xffff  }
0x156: {  	vm5 =	vlt.u32 v28, $0xC8;
	vm6 =	vlt.u32 v25, $0xC8;
	vm4 =	vlt.u32 v31, $0xC8;
	v40 =	vld.idx.msk [tilespmem:v35+s28+$0x0], $0xffff  }
0x157: {  	v11 =	vsel vm0, v14, v17;
	vm0 =	vlt.u32 v12, $0xC8;
	v13 =	vsel vm1, v21, v18;
	v18 =	vld.idx.msk [tilespmem:v37+s28+$0x0], $0xffff  }
0x158: {  	v20 =	vsel vm3, v24, v20;
	v17 =	vsel vm6, v25, v26;
	v21 =	vsel vm2, v27, v23;
	v23 =	vld.idx.msk [tilespmem:v38+s28+$0x0], $0xffff  }
0x159: {  	v25 =	vsel vm4, v31, v30;
	v26 =	vsel vm5, v28, v29;
	v24 =	vand.u32 $0x7F, v11;
	v27 =	vld.idx.msk [tilespmem:v39+s28+$0x0], $0xffff  }
0x15a: {  	v28 =	vshll.u32 v11, $0x3;
	v29 =	vsel vm0, v12, v9;
	v41 =	vand.u32 $0x7F, v13;
	v30 =	vld.idx.msk [tilespmem:v10+s28+$0x0], $0xffff  }
0x15b: {  	v14 =	vand.u32 $0x7F, v20;
	v9 =	vand.u32 $0x7F, v21;
	v31 =	vshll.u32 v13, $0x3;
	v42 =	vld.idx.msk [tilespmem:v10+s29+$0x0], $0xffff  }
0x15c: {  	v20 =	vshll.u32 v20, $0x3;
	v12 =	vand.u32 $0x7F, v17;
	v21 =	vshll.u32 v21, $0x3;
	v43 =	vld.idx.msk [tilespmem:v10+s30+$0x0], $0xffff  }
0x15d: {  	v13 =	vand.u32 $0x7F, v26;
	v17 =	vshll.u32 v17, $0x3;
	v10 =	vand.u32 $0x7F, v25;
	v44 =	vld.idx.msk [tilespmem:v39+s29+$0x0], $0xffff  }
0x15e: {  	v26 =	vshll.u32 v26, $0x3;
	v11 =	vand.u32 $0x7F, v29;
	v25 =	vshll.u32 v25, $0x3;
	v39 =	vld.idx.msk [tilespmem:v39+s30+$0x0], $0xffff  }
0x15f: {  	v28 =	vand.u32 $0xFFFFFC00, v28;
	v29 =	vshll.u32 v29, $0x3;
	v19 =	vadd.f32 v34, v19;
	v34 =	vld.idx.msk [tilespmem:v38+s29+$0x0], $0xffff  }
0x160: {  	v31 =	vand.u32 $0xFFFFFC00, v31;
	v15 =	vadd.f32 v36, v15;
	v16 =	vadd.f32 v22, v16;
	v36 =	vld.idx.msk [tilespmem:v38+s30+$0x0], $0xffff  }
0x161: {  	v20 =	vand.u32 $0xFFFFFC00, v20;
	v19 =	vadd.f32 v30, v19;
	v38 =	vand.u32 $0xFFFFFC00, v21;
	v30 =	vld.idx.msk [tilespmem:v37+s29+$0x0], $0xffff  }
0x162: {  	v45 =	vand.u32 $0xFFFFFC00, v17;
	v17 =	vadd.f32 v42, v15;
	v16 =	vadd.f32 v43, v16;
	v37 =	vld.idx.msk [tilespmem:v37+s30+$0x0], $0xffff  }
0x163: {  	v22 =	vand.u32 $0xFFFFFC00, v25;
	v25 =	vand.u32 $0xFFFFFC00, v26;
	v19 =	vadd.f32 v27, v19;
	v15 =	vld.idx.msk [tilespmem:v35+s29+$0x0], $0xffff  }
0x164: {  	v21 =	vand.u32 $0xFFFFFC00, v29;
	v27 =	vadd.f32 v44, v17;
	v29 =	vadd.f32 v39, v16;
	v17 =	vld.idx.msk [tilespmem:v35+s30+$0x0], $0xffff  }
.Ltmp4:
0x165: {  	v26 =	vadd.s32 v6, v28;
	v28 =	vadd.s32 v6, v31;
	v23 =	vadd.f32 v23, v19;
	v16 =	vld.idx.msk [tilespmem:v33+s29+$0x0], $0xffff;
	(pc) =	sbr.rel @p0 .LBB2_11-.Ltmp4, $4  }
0x166: {  	v26 =	vor.u32 v24, v26;
	v24 =	vadd.f32 v34, v27;
	v34 =	vadd.f32 v36, v29;
	v19 =	vld.idx.msk [tilespmem:v33+s30+$0x0], $0xffff  }
0x167: {  	v31 =	vadd.s32 v6, v20;
	v27 =	vadd.s32 v6, v38;
	v33 =	vadd.f32 v18, v23;
	v18 =	vld.idx.msk [tilespmem:v32+s29+$0x0], $0xffff  }
0x168: {  	v29 =	vadd.s32 v6, v45;
	v24 =	vadd.f32 v30, v24;
	v23 =	vadd.f32 v37, v34;
	v20 =	vld.idx.msk [tilespmem:v32+s30+$0x0], $0xffff  }
0x169: {  	s24 =	sadd.s32 $0x8, s24;
	v28 =	vor.u32 v41, v28;
	v30 =	vadd.s32 v6, v25;
	v25 =	vadd.f32 v40, v33  }
0x16a: {  	_ =	sdelay $0x2  }
0x16b: {  	v14 =	vor.u32 v14, v31  }
0x16c: {  	v26 =	vld.idx.msk [tilespmem:v26+s26+$0x0], $0xffff;
	v9 =	vor.u32 v9, v27  }
0x16d: {  	v12 =	vor.u32 v12, v29  }
0x16e: {  	v22 =	vadd.s32 v6, v22;
	v13 =	vor.u32 v13, v30  }
0x16f: {  	v6 =	vadd.s32 v6, v21;
	v44 =	vld.idx.msk [tilespmem:v28+s26+$0x0], $0xffff;
	v10 =	vor.u32 v10, v22  }
0x170: {  	v6 =	vor.u32 v11, v6;
	v45 =	vld.idx.msk [tilespmem:v14+s26+$0x0], $0xffff  }
0x171: {  	v9 =	vld.idx.msk [tilespmem:v9+s26+$0x0], $0xffff;
	v46 =	vshll.u32 v26, $0x4  }
0x172: {  	v12 =	vld.idx.msk [tilespmem:v12+s26+$0x0], $0xffff;
	v14 =	vor.u32 v0, v46  }
0x173: {  	v13 =	vld.idx.msk [tilespmem:v13+s26+$0x0], $0xffff  }
0x174: {  	v21 =	vshll.u32 v44, $0x4;
	v10 =	vld.idx.msk [tilespmem:v10+s26+$0x0], $0xffff  }
0x175: {  	v6 =	vld.idx.msk [tilespmem:v6+s26+$0x0], $0xffff;
	v21 =	vor.u32 v0, v21;
	v11 =	vshll.u32 v45, $0x4  }
0x176: {  	v9 =	vshll.u32 v9, $0x4;
	v11 =	vor.u32 v0, v11  }
0x177: {  	v12 =	vshll.u32 v12, $0x4;
	v47 =	vld.idx.msk [tilespmem:v14+s28+$0x0], $0xffff;
	v9 =	vor.u32 v0, v9  }
0x178: {  	v13 =	vshll.u32 v13, $0x4;
	v48 =	vld.idx.msk [tilespmem:v14+s29+$0x0], $0xffff;
	v12 =	vor.u32 v0, v12  }
0x179: {  	v14 =	vld.idx.msk [tilespmem:v14+s30+$0x0], $0xffff;
	v10 =	vshll.u32 v10, $0x4;
	v13 =	vor.u32 v0, v13  }
0x17a: {  	v6 =	vshll.u32 v6, $0x4;
	v49 =	vld.idx.msk [tilespmem:v21+s28+$0x0], $0xffff;
	v10 =	vor.u32 v0, v10  }
0x17b: {  	v6 =	vor.u32 v0, v6;
	v50 =	vld.idx.msk [tilespmem:v11+s28+$0x0], $0xffff  }
0x17c: {  	v51 =	vld.idx.msk [tilespmem:v9+s28+$0x0], $0xffff  }
0x17d: {  	v52 =	vld.idx.msk [tilespmem:v12+s28+$0x0], $0xffff  }
0x17e: {  	v15 =	vadd.f32 v15, v24;
	v53 =	vld.idx.msk [tilespmem:v13+s28+$0x0], $0xffff  }
0x17f: {  	v17 =	vadd.f32 v17, v23;
	v8 =	vadd.f32 v8, v25;
	v54 =	vld.idx.msk [tilespmem:v10+s28+$0x0], $0xffff  }
0x180: {  	v15 =	vadd.f32 v16, v15;
	v55 =	vld.idx.msk [tilespmem:v6+s28+$0x0], $0xffff  }
0x181: {  	v17 =	vadd.f32 v19, v17;
	v7 =	vadd.f32 v7, v8;
	v56 =	vld.idx.msk [tilespmem:v6+s29+$0x0], $0xffff  }
0x182: {  	v15 =	vadd.f32 v18, v15;
	v6 =	vld.idx.msk [tilespmem:v6+s30+$0x0], $0xffff  }
0x183: {  	v17 =	vadd.f32 v20, v17;
	v7 =	vadd.f32 v47, v7;
	v57 =	vld.idx.msk [tilespmem:v10+s29+$0x0], $0xffff  }
0x184: {  	v15 =	vadd.f32 v48, v15;
	v10 =	vld.idx.msk [tilespmem:v10+s30+$0x0], $0xffff  }
0x185: {  	v58 =	vld.idx.msk [tilespmem:v13+s29+$0x0], $0xffff;
	v14 =	vadd.f32 v14, v17;
	v7 =	vadd.f32 v55, v7  }
0x186: {  	v13 =	vld.idx.msk [tilespmem:v13+s30+$0x0], $0xffff;
	v8 =	vadd.f32 v56, v15  }
0x187: {  	v59 =	vld.idx.msk [tilespmem:v12+s29+$0x0], $0xffff;
	v6 =	vadd.f32 v6, v14;
	v7 =	vadd.f32 v54, v7  }
0x188: {  	v12 =	vld.idx.msk [tilespmem:v12+s30+$0x0], $0xffff;
	v8 =	vadd.f32 v57, v8  }
0x189: {  	v60 =	vld.idx.msk [tilespmem:v9+s29+$0x0], $0xffff;
	v6 =	vadd.f32 v10, v6;
	v7 =	vadd.f32 v53, v7  }
0x18a: {  	v9 =	vld.idx.msk [tilespmem:v9+s30+$0x0], $0xffff;
	v8 =	vadd.f32 v58, v8  }
0x18b: {  	v61 =	vld.idx.msk [tilespmem:v11+s29+$0x0], $0xffff;
	v6 =	vadd.f32 v13, v6;
	v7 =	vadd.f32 v52, v7  }
0x18c: {  	v11 =	vld.idx.msk [tilespmem:v11+s30+$0x0], $0xffff;
	v8 =	vadd.f32 v59, v8  }
0x18d: {  	v62 =	vld.idx.msk [tilespmem:v21+s29+$0x0], $0xffff;
	v6 =	vadd.f32 v12, v6;
	v7 =	vadd.f32 v51, v7  }
0x18e: {  	v63 =	vld.idx.msk [tilespmem:v21+s30+$0x0], $0xffff;
	v8 =	vadd.f32 v60, v8  }
0x18f: {  	s7 =	sadd.s32 $0x1, s7;
	v6 =	vadd.f32 v9, v6;
	v7 =	vadd.f32 v50, v7  }
0x190: {  	p0 =	sne.s32 s7, $0x8;
	v8 =	vadd.f32 v61, v8  }
.Ltmp5:
0x191: {  	v6 =	vadd.f32 v11, v6;
	v7 =	vadd.f32 v49, v7;
	(pc) =	sbr.rel @p0 .LBB2_10-.Ltmp5, $4  }
0x192: {  	v8 =	vadd.f32 v62, v8  }
0x193: {  	v6 =	vadd.f32 v63, v6;
	[tilespmem:s8+$0x10080] =	vst v7  }
0x194: {  	[tilespmem:s8+$0x10180] =	vst v8  }
0x195: {  	[tilespmem:s8+$0x10280] =	vst v6  }
0x196: {  	s3 =	simm.s32 $0x0;
	s4 =	simm.s32 $0x10080  }
0x197: {  	[hbm4b:s11+s3] =	stream.linear.scatter [tilespmem:s4], [sflag:$0x4], $0x80, $0x38;
	[tilespmem:$0x12100] =	vst v63  }
0x198: {  	s10 =	simm.s32 $0x10180  }
0x199: {  	[hbm4b:s12+s3] =	stream.linear.scatter [tilespmem:s10], [sflag:$0x4], $0x80, $0x38;
	[tilespmem:$0x12100] =	vst v63  }
0x19a: {  	s24 =	simm.s32 $0x10280  }
0x19b: {  	[hbm4b:s13+s3] =	stream.linear.scatter [tilespmem:s24], [sflag:$0x4], $0x80, $0x38;
	[tilespmem:$0x12100] =	vst v63  }
0x19c: {  	_ =	swait.ge [sflag:s25], $0x8000  }
0x19d: {  	[sflag:s25] =	ssyncset.done $0x0  }
0x19e: {  	[sflag:s25] =	ssyncadd.s32 $0xFFFF8000  }
0x19f: {  	[tilespmem:s26], [sflag:$0x2] =	stream.linear.gather [hbm4b:s14+s3], $0x8000, $0x38;
	[tilespmem:$0x12100] =	vst v63  }
0x1a0: {  	_ =	swait.ge [sflag:s5], $0x80  }
0x1a1: {  	[sflag:s5] =	ssyncset.done $0x0  }
0x1a2: {  	[sflag:s5] =	ssyncadd.s32 $0xFFFFFF80  }
0x1a3: {  	_ =	swait.ge [sflag:s5], $0x80  }
0x1a4: {  	[sflag:s5] =	ssyncset.done $0x0  }
0x1a5: {  	[sflag:s5] =	ssyncadd.s32 $0xFFFFFF80  }
0x1a6: {  	_ =	swait.ge [sflag:s5], $0x80  }
0x1a7: {  	[sflag:s5] =	ssyncset.done $0x0  }
0x1a8: {  	s7 =	simm.s32 $0x0;
	[sflag:s5] =	ssyncadd.s32 $0xFFFFFF80  }
.LBB2_14:
0x1a9: {  	s8 =	sshll.u32 s7, $0x4  }
0x1aa: {  	s4 =	simm.s32 $0x7;
	v7 =	vadd.s32 s3, v1;
	s9 =	simm.s32 $0x6;
	v8 =	vadd.s32 s3, v5;
	v6 =	vmov s8  }
0x1ab: {  	s10 =	simm.s32 $0x5;
	v9 =	vadd.s32 s4, v5;
	v10 =	vadd.s32 s9, v5;
	v11 =	vadd.s32 s4, v1  }
0x1ac: {  	s24 =	simm.s32 $0x3;
	v12 =	vadd.s32 s10, v5;
	v13 =	vadd.s32 s9, v1;
	v16 =	vadd.s32 s10, v1  }
0x1ad: {  	s4 =	simm.s32 $0x4;
	v17 =	vadd.s32 s24, v1;
	v18 =	vadd.s32 s24, v5;
	vm0 =	vlt.u32 v7, $0xC8  }
0x1ae: {  	s10 =	simm.s32 $0x2;
	s24 =	simm.s32 $0x1;
	v6 =	vshll.u32 v6, $0x8;
	v14 =	vadd.s32 s4, v1;
	v15 =	vadd.s32 s4, v5  }
0x1af: {  	v19 =	vadd.s32 s10, v5;
	v20 =	vadd.s32 s10, v1;
	v21 =	vadd.s32 s24, v5  }
0x1b0: {  	v22 =	vadd.s32 s24, v1;
	vm1 =	vlt.u32 v11, $0xC8;
	vm2 =	vlt.u32 v16, $0xC8  }
0x1b1: {  	vm3 =	vlt.u32 v13, $0xC8;
	vm5 =	vlt.u32 v17, $0xC8;
	v7 =	vsel vm0, v7, v8  }
0x1b2: {  	v6 =	vor.u32 v3, v6;
	vm4 =	vlt.u32 v20, $0xC8;
	vm6 =	vlt.u32 v14, $0xC8  }
0x1b3: {  	vm14 =	vlt.u32 v22, $0xC8;
	v8 =	vsel vm1, v11, v9;
	v11 =	vsel vm2, v16, v12  }
0x1b4: {  	v10 =	vsel vm3, v13, v10;
	v12 =	vand.u32 $0x7F, v7;
	v7 =	vshll.u32 v7, $0x3  }
0x1b5: {  	v6 =	vand.u32 $0x7800, v6;
	v9 =	vsel vm6, v14, v15;
	v13 =	vsel vm4, v20, v19  }
0x1b6: {  	v14 =	vsel vm5, v17, v18;
	v15 =	vsel vm14, v22, v21;
	v16 =	vand.u32 $0x7F, v8  }
0x1b7: {  	v17 =	vand.u32 $0x7F, v11;
	v18 =	vand.u32 $0x7F, v10;
	v8 =	vshll.u32 v8, $0x3  }
0x1b8: {  	v11 =	vshll.u32 v11, $0x3;
	v10 =	vshll.u32 v10, $0x3;
	v7 =	vand.u32 $0xFFFFFC00, v7  }
0x1b9: {  	v6 =	vor.u32 v4, v6;
	v19 =	vand.u32 $0x7F, v9;
	v20 =	vand.u32 $0x7F, v13  }
0x1ba: {  	v21 =	vand.u32 $0x7F, v14;
	v9 =	vshll.u32 v9, $0x3;
	v22 =	vand.u32 $0x7F, v15  }
0x1bb: {  	v13 =	vshll.u32 v13, $0x3;
	v8 =	vand.u32 $0xFFFFFC00, v8;
	v7 =	vadd.s32 v6, v7  }
0x1bc: {  	v11 =	vand.u32 $0xFFFFFC00, v11;
	v10 =	vand.u32 $0xFFFFFC00, v10;
	v7 =	vor.u32 v12, v7  }
0x1bd: {  	v8 =	vadd.s32 v6, v8;
	v9 =	vand.u32 $0xFFFFFC00, v9;
	v10 =	vadd.s32 v6, v10  }
0x1be: {  	v13 =	vand.u32 $0xFFFFFC00, v13;
	v11 =	vadd.s32 v6, v11;
	v12 =	vshll.u32 v14, $0x3  }
0x1bf: {  	v14 =	vshll.u32 v15, $0x3;
	v8 =	vor.u32 v16, v8;
	v10 =	vor.u32 v18, v10  }
0x1c0: {  	s10 =	simm.s32 $0x8;
	v9 =	vadd.s32 v6, v9;
	v11 =	vor.u32 v17, v11;
	v13 =	vadd.s32 v6, v13  }
0x1c1: {  	s9 =	simm.s32 $0xF;
	v15 =	vimm.f32 $0.0e+00;
	v16 =	vadd.s32 s10, v1;
	v17 =	vadd.s32 s10, v5;
	v7 =	vld.idx.msk [tilespmem:v7+s2+$0x0], $0xffff  }
0x1c2: {  	v18 =	vadd.s32 s9, v5;
	v12 =	vand.u32 $0xFFFFFC00, v12;
	v9 =	vor.u32 v19, v9  }
0x1c3: {  	s24 =	simm.s32 $0xE;
	v14 =	vand.u32 $0xFFFFFC00, v14;
	v13 =	vor.u32 v20, v13;
	v12 =	vadd.s32 v6, v12  }
0x1c4: {  	s10 =	simm.s32 $0xD;
	v19 =	vadd.s32 s24, v5;
	v14 =	vadd.s32 v6, v14;
	v12 =	vor.u32 v21, v12;
	v8 =	vld.idx.msk [tilespmem:v8+s2+$0x0], $0xffff  }
0x1c5: {  	v20 =	vadd.s32 s9, v1;
	s9 =	simm.s32 $0xC;
	v25 =	vadd.s32 s10, v1;
	v14 =	vor.u32 v22, v14;
	v10 =	vld.idx.msk [tilespmem:v10+s2+$0x0], $0xffff  }
0x1c6: {  	vm15 =	vlt.u32 v16, $0xC8;
	v23 =	vadd.s32 s9, v1;
	v11 =	vld.idx.msk [tilespmem:v11+s2+$0x0], $0xffff;
	v7 =	vshll.u32 v7, $0x4  }
0x1c7: {  	v24 =	vadd.s32 s9, v5;
	vm9 =	vlt.u32 v20, $0xC8;
	v9 =	vld.idx.msk [tilespmem:v9+s2+$0x0], $0xffff;
	v7 =	vor.u32 v0, v7  }
0x1c8: {  	vm10 =	vlt.u32 v25, $0xC8;
	v21 =	vadd.s32 s10, v5;
	v22 =	vadd.s32 s24, v1;
	s24 =	simm.s32 $0xB;
	v13 =	vld.idx.msk [tilespmem:v13+s2+$0x0], $0xffff  }
0x1c9: {  	vm14 =	vlt.u32 v23, $0xC8;
	v26 =	vadd.s32 s24, v1;
	v12 =	vld.idx.msk [tilespmem:v12+s2+$0x0], $0xffff;
	v8 =	vshll.u32 v8, $0x4  }
0x1ca: {  	s10 =	simm.s32 $0xA;
	v27 =	vadd.s32 s24, v5;
	v14 =	vld.idx.msk [tilespmem:v14+s2+$0x0], $0xffff;
	v10 =	vshll.u32 v10, $0x4;
	v30 =	vor.u32 v0, v8  }
0x1cb: {  	v28 =	vadd.s32 s10, v5;
	v8 =	vshll.u32 v11, $0x4;
	v31 =	vor.u32 v0, v10  }
0x1cc: {  	vm11 =	vlt.u32 v22, $0xC8;
	v9 =	vshll.u32 v9, $0x4;
	v32 =	vor.u32 v0, v8;
	v33 =	vld.idx.msk [tilespmem:v7+s28+$0x0], $0xffff  }
0x1cd: {  	vm13 =	vlt.u32 v26, $0xC8;
	v34 =	vor.u32 v0, v9;
	v9 =	vshll.u32 v13, $0x4;
	v35 =	vld.idx.msk [tilespmem:v7+s29+$0x0], $0xffff  }
0x1ce: {  	v19 =	vsel vm11, v22, v19;
	v8 =	vshll.u32 v12, $0x4;
	v38 =	vor.u32 v0, v9;
	v37 =	vld.idx.msk [tilespmem:v7+s30+$0x0], $0xffff  }
0x1cf: {  	v22 =	vsel vm13, v26, v27;
	v36 =	vor.u32 v0, v8;
	v8 =	vshll.u32 v14, $0x4;
	v7 =	vld.idx.msk [tilespmem:v30+s28+$0x0], $0xffff  }
0x1d0: {  	s24 =	simm.s32 $0x9;
	v29 =	vadd.s32 s10, v1;
	v43 =	vshll.u32 v22, $0x3;
	v13 =	vor.u32 v0, v8;
	v8 =	vld.idx.msk [tilespmem:v31+s28+$0x0], $0xffff  }
0x1d1: {  	vm12 =	vlt.u32 v29, $0xC8;
	v61 =	vand.u32 $0xFFFFFC00, v43;
	v10 =	vadd.s32 s24, v5;
	v39 =	vld.idx.msk [tilespmem:v32+s28+$0x0], $0xffff  }
0x1d2: {  	v11 =	vadd.s32 s24, v1;
	v9 =	vsel vm15, v16, v17;
	v12 =	vsel vm9, v20, v18;
	v18 =	vld.idx.msk [tilespmem:v34+s28+$0x0], $0xffff  }
0x1d3: {  	vm15 =	vlt.u32 v11, $0xC8;
	v16 =	vsel vm14, v23, v24;
	v17 =	vsel vm10, v25, v21;
	v24 =	vld.idx.msk [tilespmem:v38+s28+$0x0], $0xffff  }
0x1d4: {  	v21 =	vsel vm12, v29, v28;
	v23 =	vand.u32 $0x7F, v9;
	v25 =	vshll.u32 v9, $0x3;
	v42 =	vld.idx.msk [tilespmem:v38+s29+$0x0], $0xffff  }
0x1d5: {  	v26 =	vsel vm15, v11, v10;
	v28 =	vand.u32 $0x7F, v12;
	v9 =	vand.u32 $0x7F, v17;
	v27 =	vld.idx.msk [tilespmem:v13+s28+$0x0], $0xffff  }
0x1d6: {  	v14 =	vand.u32 $0x7F, v19;
	v29 =	vshll.u32 v12, $0x3;
	v12 =	vand.u32 $0x7F, v16;
	v40 =	vld.idx.msk [tilespmem:v13+s29+$0x0], $0xffff  }
0x1d7: {  	v17 =	vshll.u32 v17, $0x3;
	v19 =	vshll.u32 v19, $0x3;
	v10 =	vand.u32 $0x7F, v21;
	v41 =	vld.idx.msk [tilespmem:v13+s30+$0x0], $0xffff  }
0x1d8: {  	v16 =	vshll.u32 v16, $0x3;
	v21 =	vshll.u32 v21, $0x3;
	v11 =	vand.u32 $0x7F, v26;
	v38 =	vld.idx.msk [tilespmem:v38+s30+$0x0], $0xffff  }
0x1d9: {  	v25 =	vand.u32 $0xFFFFFC00, v25;
	v20 =	vld.idx.msk [tilespmem:v36+s28+$0x0], $0xffff;
	v13 =	vand.u32 $0x7F, v22;
	v22 =	vadd.f32 v33, v15  }
0x1da: {  	v26 =	vshll.u32 v26, $0x3;
	v59 =	vld.idx.msk [tilespmem:v36+s29+$0x0], $0xffff;
	v35 =	vadd.f32 v35, v15;
	v15 =	vadd.f32 v37, v15  }
0x1db: {  	v60 =	vand.u32 $0xFFFFFC00, v17;
	v44 =	vand.u32 $0xFFFFFC00, v19;
	v36 =	vld.idx.msk [tilespmem:v36+s30+$0x0], $0xffff;
	v17 =	vadd.f32 v27, v22  }
0x1dc: {  	v46 =	vand.u32 $0xFFFFFC00, v16;
	v45 =	vld.idx.msk [tilespmem:v34+s29+$0x0], $0xffff;
	v16 =	vadd.f32 v40, v35;
	v19 =	vadd.f32 v41, v15  }
0x1dd: {  	v29 =	vand.u32 $0xFFFFFC00, v29;
	v25 =	vadd.s32 v6, v25;
	v34 =	vld.idx.msk [tilespmem:v34+s30+$0x0], $0xffff;
	v24 =	vadd.f32 v24, v17  }
0x1de: {  	v62 =	vadd.s32 v6, v29;
	v15 =	vld.idx.msk [tilespmem:v32+s29+$0x0], $0xffff;
	v27 =	vadd.f32 v42, v16;
	v19 =	vadd.f32 v38, v19  }
0x1df: {  	v22 =	vand.u32 $0xFFFFFC00, v21;
	v21 =	vand.u32 $0xFFFFFC00, v26;
	v17 =	vld.idx.msk [tilespmem:v32+s30+$0x0], $0xffff;
	v20 =	vadd.f32 v20, v24  }
0x1e0: {  	v26 =	vor.u32 v23, v25;
	v16 =	vld.idx.msk [tilespmem:v31+s29+$0x0], $0xffff;
	v23 =	vadd.f32 v59, v27;
	v25 =	vadd.f32 v36, v19  }
0x1e1: {  	v29 =	vadd.s32 v6, v46;
	v28 =	vor.u32 v28, v62;
	v19 =	vld.idx.msk [tilespmem:v31+s30+$0x0], $0xffff;
	v63 =	vadd.f32 v18, v20  }
0x1e2: {  	v27 =	vadd.s32 v6, v60;
	v18 =	vld.idx.msk [tilespmem:v30+s29+$0x0], $0xffff;
	v24 =	vadd.f32 v45, v23;
	v23 =	vadd.f32 v34, v25  }
0x1e3: {  	s24 =	simm.s32 $0x10;
	v31 =	vadd.s32 v6, v44;
	v20 =	vld.idx.msk [tilespmem:v30+s30+$0x0], $0xffff;
	v30 =	vadd.s32 v6, v61;
	v25 =	vadd.f32 v39, v63  }
.LBB2_15:
0x1e4: {  	p0 =	slt.u32 s24, $0xC0;
	v14 =	vor.u32 v14, v31;
	v15 =	vadd.f32 v15, v24;
	v17 =	vadd.f32 v17, v23  }
0x1e5: {  	v22 =	vadd.s32 v6, v22;
	v9 =	vor.u32 v9, v27;
	v23 =	vld.idx.msk [tilespmem:v26+s2+$0x0], $0xffff;
	v8 =	vadd.f32 v8, v25  }
0x1e6: {  	v12 =	vor.u32 v12, v29;
	v15 =	vadd.f32 v16, v15;
	v16 =	vadd.f32 v19, v17  }
0x1e7: {  	v13 =	vor.u32 v13, v30;
	v17 =	vadd.s32 v6, v21;
	v19 =	vadd.f32 v7, v8  }
0x1e8: {  	v7 =	vor.u32 v10, v22;
	v8 =	vld.idx.msk [tilespmem:v28+s2+$0x0], $0xffff;
	v15 =	vadd.f32 v18, v15;
	v16 =	vadd.f32 v20, v16  }
0x1e9: {  	s4 =	sadd.s32 $0x7, s24;
	v10 =	vor.u32 v11, v17;
	v11 =	vld.idx.msk [tilespmem:v14+s2+$0x0], $0xffff  }
0x1ea: {  	s9 =	sadd.s32 $0x6, s24;
	v17 =	vadd.s32 s24, v5;
	v18 =	vadd.s32 s4, v5;
	v14 =	vadd.s32 s24, v1;
	v9 =	vld.idx.msk [tilespmem:v9+s2+$0x0], $0xffff  }
0x1eb: {  	s10 =	sadd.s32 $0x5, s24;
	v21 =	vadd.s32 s4, v1;
	v20 =	vadd.s32 s9, v5;
	v22 =	vshll.u32 v23, $0x4;
	v12 =	vld.idx.msk [tilespmem:v12+s2+$0x0], $0xffff  }
0x1ec: {  	v24 =	vadd.s32 s9, v1;
	s4 =	sadd.s32 $0x4, s24;
	v23 =	vadd.s32 s10, v5;
	v22 =	vor.u32 v0, v22;
	v13 =	vld.idx.msk [tilespmem:v13+s2+$0x0], $0xffff  }
0x1ed: {  	v27 =	vadd.s32 s10, v1;
	s9 =	sadd.s32 $0x3, s24;
	v25 =	vadd.s32 s4, v1;
	v26 =	vadd.s32 s4, v5;
	v7 =	vld.idx.msk [tilespmem:v7+s2+$0x0], $0xffff  }
0x1ee: {  	s4 =	sadd.s32 $0x2, s24;
	v28 =	vadd.s32 s9, v1;
	v29 =	vadd.s32 s9, v5;
	v8 =	vshll.u32 v8, $0x4;
	v10 =	vld.idx.msk [tilespmem:v10+s2+$0x0], $0xffff  }
0x1ef: {  	v30 =	vadd.s32 s4, v5;
	v11 =	vshll.u32 v11, $0x4;
	v32 =	vor.u32 v0, v8  }
0x1f0: {  	s9 =	sadd.s32 $0x1, s24;
	v31 =	vadd.s32 s4, v1;
	v8 =	vshll.u32 v9, $0x4;
	v33 =	vor.u32 v0, v11  }
0x1f1: {  	v9 =	vadd.s32 s9, v5;
	v11 =	vshll.u32 v12, $0x4;
	v35 =	vor.u32 v0, v8;
	v34 =	vld.idx.msk [tilespmem:v22+s28+$0x0], $0xffff  }
0x1f2: {  	v12 =	vadd.s32 s9, v1;
	v8 =	vshll.u32 v13, $0x4;
	v37 =	vor.u32 v0, v11;
	v36 =	vld.idx.msk [tilespmem:v22+s29+$0x0], $0xffff  }
0x1f3: {  	vm0 =	vlt.u32 v14, $0xC8;
	v7 =	vshll.u32 v7, $0x4;
	v38 =	vor.u32 v0, v8;
	v22 =	vld.idx.msk [tilespmem:v22+s30+$0x0], $0xffff  }
0x1f4: {  	vm1 =	vlt.u32 v21, $0xC8;
	v8 =	vshll.u32 v10, $0x4;
	v39 =	vor.u32 v0, v7;
	v7 =	vld.idx.msk [tilespmem:v32+s28+$0x0], $0xffff  }
0x1f5: {  	vm2 =	vlt.u32 v27, $0xC8;
	vm3 =	vlt.u32 v24, $0xC8;
	v10 =	vor.u32 v0, v8;
	v8 =	vld.idx.msk [tilespmem:v33+s28+$0x0], $0xffff  }
0x1f6: {  	vm5 =	vlt.u32 v28, $0xC8;
	vm6 =	vlt.u32 v25, $0xC8;
	vm4 =	vlt.u32 v31, $0xC8;
	v40 =	vld.idx.msk [tilespmem:v35+s28+$0x0], $0xffff  }
0x1f7: {  	v11 =	vsel vm0, v14, v17;
	vm0 =	vlt.u32 v12, $0xC8;
	v13 =	vsel vm1, v21, v18;
	v18 =	vld.idx.msk [tilespmem:v37+s28+$0x0], $0xffff  }
0x1f8: {  	v20 =	vsel vm3, v24, v20;
	v17 =	vsel vm6, v25, v26;
	v21 =	vsel vm2, v27, v23;
	v23 =	vld.idx.msk [tilespmem:v38+s28+$0x0], $0xffff  }
0x1f9: {  	v25 =	vsel vm4, v31, v30;
	v26 =	vsel vm5, v28, v29;
	v24 =	vand.u32 $0x7F, v11;
	v27 =	vld.idx.msk [tilespmem:v39+s28+$0x0], $0xffff  }
0x1fa: {  	v28 =	vshll.u32 v11, $0x3;
	v29 =	vsel vm0, v12, v9;
	v41 =	vand.u32 $0x7F, v13;
	v30 =	vld.idx.msk [tilespmem:v10+s28+$0x0], $0xffff  }
0x1fb: {  	v14 =	vand.u32 $0x7F, v20;
	v9 =	vand.u32 $0x7F, v21;
	v31 =	vshll.u32 v13, $0x3;
	v42 =	vld.idx.msk [tilespmem:v10+s29+$0x0], $0xffff  }
0x1fc: {  	v20 =	vshll.u32 v20, $0x3;
	v12 =	vand.u32 $0x7F, v17;
	v21 =	vshll.u32 v21, $0x3;
	v43 =	vld.idx.msk [tilespmem:v10+s30+$0x0], $0xffff  }
0x1fd: {  	v13 =	vand.u32 $0x7F, v26;
	v17 =	vshll.u32 v17, $0x3;
	v10 =	vand.u32 $0x7F, v25;
	v44 =	vld.idx.msk [tilespmem:v39+s29+$0x0], $0xffff  }
0x1fe: {  	v26 =	vshll.u32 v26, $0x3;
	v11 =	vand.u32 $0x7F, v29;
	v25 =	vshll.u32 v25, $0x3;
	v39 =	vld.idx.msk [tilespmem:v39+s30+$0x0], $0xffff  }
0x1ff: {  	v28 =	vand.u32 $0xFFFFFC00, v28;
	v29 =	vshll.u32 v29, $0x3;
	v19 =	vadd.f32 v34, v19;
	v34 =	vld.idx.msk [tilespmem:v38+s29+$0x0], $0xffff  }
0x200: {  	v31 =	vand.u32 $0xFFFFFC00, v31;
	v15 =	vadd.f32 v36, v15;
	v16 =	vadd.f32 v22, v16;
	v36 =	vld.idx.msk [tilespmem:v38+s30+$0x0], $0xffff  }
0x201: {  	v20 =	vand.u32 $0xFFFFFC00, v20;
	v19 =	vadd.f32 v30, v19;
	v38 =	vand.u32 $0xFFFFFC00, v21;
	v30 =	vld.idx.msk [tilespmem:v37+s29+$0x0], $0xffff  }
0x202: {  	v45 =	vand.u32 $0xFFFFFC00, v17;
	v17 =	vadd.f32 v42, v15;
	v16 =	vadd.f32 v43, v16;
	v37 =	vld.idx.msk [tilespmem:v37+s30+$0x0], $0xffff  }
0x203: {  	v22 =	vand.u32 $0xFFFFFC00, v25;
	v25 =	vand.u32 $0xFFFFFC00, v26;
	v19 =	vadd.f32 v27, v19;
	v15 =	vld.idx.msk [tilespmem:v35+s29+$0x0], $0xffff  }
0x204: {  	v21 =	vand.u32 $0xFFFFFC00, v29;
	v27 =	vadd.f32 v44, v17;
	v29 =	vadd.f32 v39, v16;
	v17 =	vld.idx.msk [tilespmem:v35+s30+$0x0], $0xffff  }
.Ltmp6:
0x205: {  	v26 =	vadd.s32 v6, v28;
	v28 =	vadd.s32 v6, v31;
	v23 =	vadd.f32 v23, v19;
	v16 =	vld.idx.msk [tilespmem:v33+s29+$0x0], $0xffff;
	(pc) =	sbr.rel @p0 .LBB2_15-.Ltmp6, $4  }
0x206: {  	v26 =	vor.u32 v24, v26;
	v24 =	vadd.f32 v34, v27;
	v34 =	vadd.f32 v36, v29;
	v19 =	vld.idx.msk [tilespmem:v33+s30+$0x0], $0xffff  }
0x207: {  	v31 =	vadd.s32 v6, v20;
	v27 =	vadd.s32 v6, v38;
	v33 =	vadd.f32 v18, v23;
	v18 =	vld.idx.msk [tilespmem:v32+s29+$0x0], $0xffff  }
0x208: {  	v29 =	vadd.s32 v6, v45;
	v24 =	vadd.f32 v30, v24;
	v23 =	vadd.f32 v37, v34;
	v20 =	vld.idx.msk [tilespmem:v32+s30+$0x0], $0xffff  }
0x209: {  	s24 =	sadd.s32 $0x8, s24;
	v28 =	vor.u32 v41, v28;
	v30 =	vadd.s32 v6, v25;
	v25 =	vadd.f32 v40, v33  }
0x20a: {  	_ =	sdelay $0x2  }
0x20b: {  	v14 =	vor.u32 v14, v31  }
0x20c: {  	v26 =	vld.idx.msk [tilespmem:v26+s2+$0x0], $0xffff;
	v9 =	vor.u32 v9, v27  }
0x20d: {  	v12 =	vor.u32 v12, v29  }
0x20e: {  	v22 =	vadd.s32 v6, v22;
	v13 =	vor.u32 v13, v30  }
0x20f: {  	v6 =	vadd.s32 v6, v21;
	v44 =	vld.idx.msk [tilespmem:v28+s2+$0x0], $0xffff;
	v10 =	vor.u32 v10, v22  }
0x210: {  	v6 =	vor.u32 v11, v6;
	v45 =	vld.idx.msk [tilespmem:v14+s2+$0x0], $0xffff  }
0x211: {  	v9 =	vld.idx.msk [tilespmem:v9+s2+$0x0], $0xffff;
	v46 =	vshll.u32 v26, $0x4  }
0x212: {  	v12 =	vld.idx.msk [tilespmem:v12+s2+$0x0], $0xffff;
	v14 =	vor.u32 v0, v46  }
0x213: {  	v13 =	vld.idx.msk [tilespmem:v13+s2+$0x0], $0xffff  }
0x214: {  	v21 =	vshll.u32 v44, $0x4;
	v10 =	vld.idx.msk [tilespmem:v10+s2+$0x0], $0xffff  }
0x215: {  	v6 =	vld.idx.msk [tilespmem:v6+s2+$0x0], $0xffff;
	v21 =	vor.u32 v0, v21;
	v11 =	vshll.u32 v45, $0x4  }
0x216: {  	v9 =	vshll.u32 v9, $0x4;
	v11 =	vor.u32 v0, v11  }
0x217: {  	v12 =	vshll.u32 v12, $0x4;
	v47 =	vld.idx.msk [tilespmem:v14+s28+$0x0], $0xffff;
	v9 =	vor.u32 v0, v9  }
0x218: {  	v13 =	vshll.u32 v13, $0x4;
	v48 =	vld.idx.msk [tilespmem:v14+s29+$0x0], $0xffff;
	v12 =	vor.u32 v0, v12  }
0x219: {  	v14 =	vld.idx.msk [tilespmem:v14+s30+$0x0], $0xffff;
	v10 =	vshll.u32 v10, $0x4;
	v13 =	vor.u32 v0, v13  }
0x21a: {  	v6 =	vshll.u32 v6, $0x4;
	v49 =	vld.idx.msk [tilespmem:v21+s28+$0x0], $0xffff;
	v10 =	vor.u32 v0, v10  }
0x21b: {  	v6 =	vor.u32 v0, v6;
	v50 =	vld.idx.msk [tilespmem:v11+s28+$0x0], $0xffff  }
0x21c: {  	v51 =	vld.idx.msk [tilespmem:v9+s28+$0x0], $0xffff  }
0x21d: {  	v52 =	vld.idx.msk [tilespmem:v12+s28+$0x0], $0xffff  }
0x21e: {  	v15 =	vadd.f32 v15, v24;
	v53 =	vld.idx.msk [tilespmem:v13+s28+$0x0], $0xffff  }
0x21f: {  	v17 =	vadd.f32 v17, v23;
	v8 =	vadd.f32 v8, v25;
	v54 =	vld.idx.msk [tilespmem:v10+s28+$0x0], $0xffff  }
0x220: {  	v15 =	vadd.f32 v16, v15;
	v55 =	vld.idx.msk [tilespmem:v6+s28+$0x0], $0xffff  }
0x221: {  	v17 =	vadd.f32 v19, v17;
	v7 =	vadd.f32 v7, v8;
	v56 =	vld.idx.msk [tilespmem:v6+s29+$0x0], $0xffff  }
0x222: {  	v15 =	vadd.f32 v18, v15;
	v6 =	vld.idx.msk [tilespmem:v6+s30+$0x0], $0xffff  }
0x223: {  	v17 =	vadd.f32 v20, v17;
	v7 =	vadd.f32 v47, v7;
	v57 =	vld.idx.msk [tilespmem:v10+s29+$0x0], $0xffff  }
0x224: {  	v15 =	vadd.f32 v48, v15;
	v10 =	vld.idx.msk [tilespmem:v10+s30+$0x0], $0xffff  }
0x225: {  	v58 =	vld.idx.msk [tilespmem:v13+s29+$0x0], $0xffff;
	v14 =	vadd.f32 v14, v17;
	v7 =	vadd.f32 v55, v7  }
0x226: {  	v13 =	vld.idx.msk [tilespmem:v13+s30+$0x0], $0xffff;
	v8 =	vadd.f32 v56, v15  }
0x227: {  	v59 =	vld.idx.msk [tilespmem:v12+s29+$0x0], $0xffff;
	v6 =	vadd.f32 v6, v14;
	v7 =	vadd.f32 v54, v7  }
0x228: {  	v12 =	vld.idx.msk [tilespmem:v12+s30+$0x0], $0xffff;
	v8 =	vadd.f32 v57, v8  }
0x229: {  	v60 =	vld.idx.msk [tilespmem:v9+s29+$0x0], $0xffff;
	v6 =	vadd.f32 v10, v6;
	v7 =	vadd.f32 v53, v7  }
0x22a: {  	v9 =	vld.idx.msk [tilespmem:v9+s30+$0x0], $0xffff;
	v8 =	vadd.f32 v58, v8  }
0x22b: {  	v61 =	vld.idx.msk [tilespmem:v11+s29+$0x0], $0xffff;
	v6 =	vadd.f32 v13, v6;
	v7 =	vadd.f32 v52, v7  }
0x22c: {  	v11 =	vld.idx.msk [tilespmem:v11+s30+$0x0], $0xffff;
	v8 =	vadd.f32 v59, v8  }
0x22d: {  	v62 =	vld.idx.msk [tilespmem:v21+s29+$0x0], $0xffff;
	v6 =	vadd.f32 v12, v6;
	v7 =	vadd.f32 v51, v7  }
0x22e: {  	v63 =	vld.idx.msk [tilespmem:v21+s30+$0x0], $0xffff;
	v8 =	vadd.f32 v60, v8  }
0x22f: {  	s7 =	sadd.s32 $0x1, s7;
	v6 =	vadd.f32 v9, v6;
	v7 =	vadd.f32 v50, v7  }
0x230: {  	p0 =	sne.s32 s7, $0x8;
	v8 =	vadd.f32 v61, v8  }
.Ltmp7:
0x231: {  	v6 =	vadd.f32 v11, v6;
	v7 =	vadd.f32 v49, v7;
	(pc) =	sbr.rel @p0 .LBB2_14-.Ltmp7, $4  }
0x232: {  	v8 =	vadd.f32 v62, v8  }
0x233: {  	v6 =	vadd.f32 v63, v6;
	[tilespmem:s8+$0x10000] =	vst v7  }
0x234: {  	[tilespmem:s8+$0x10100] =	vst v8  }
0x235: {  	[tilespmem:s8+$0x10200] =	vst v6  }
0x236: {  	s3 =	simm.s32 $0x0  }
0x237: {  	[hbm4b:s15+s3] =	stream.linear.scatter [tilespmem:s31], [sflag:$0x3], $0x80, $0x38;
	[tilespmem:$0x12100] =	vst v63  }
0x238: {  	s4 =	simm.s32 $0x10100  }
0x239: {  	[hbm4b:s16+s3] =	stream.linear.scatter [tilespmem:s4], [sflag:$0x3], $0x80, $0x38;
	[tilespmem:$0x12100] =	vst v63  }
0x23a: {  	s31 =	simm.s32 $0x10200  }
0x23b: {  	[hbm4b:s17+s3] =	stream.linear.scatter [tilespmem:s31], [sflag:$0x3], $0x80, $0x38;
	[tilespmem:$0x12100] =	vst v63  }
0x23c: {  	_ =	swait.ge [sflag:s1], $0x8000  }
0x23d: {  	[sflag:s1] =	ssyncset.done $0x0  }
0x23e: {  	[sflag:s1] =	ssyncadd.s32 $0xFFFF8000  }
0x23f: {  	_ =	swait.ge [sflag:s0], $0x80  }
0x240: {  	[sflag:s0] =	ssyncset.done $0x0  }
0x241: {  	[sflag:s0] =	ssyncadd.s32 $0xFFFFFF80  }
0x242: {  	_ =	swait.ge [sflag:s0], $0x80  }
0x243: {  	[sflag:s0] =	ssyncset.done $0x0  }
0x244: {  	[sflag:s0] =	ssyncadd.s32 $0xFFFFFF80  }
0x245: {  	_ =	swait.ge [sflag:s0], $0x80  }
0x246: {  	[sflag:s0] =	ssyncset.done $0x0  }
0x247: {  	s7 =	simm.s32 $0x0;
	[sflag:s0] =	ssyncadd.s32 $0xFFFFFF80  }
.LBB2_18:
0x248: {  	s8 =	sshll.u32 s7, $0x4  }
0x249: {  	s4 =	simm.s32 $0x7;
	v7 =	vadd.s32 s3, v1;
	s9 =	simm.s32 $0x6;
	v8 =	vadd.s32 s3, v5;
	v6 =	vmov s8  }
0x24a: {  	s10 =	simm.s32 $0x5;
	s24 =	simm.s32 $0x4;
	v9 =	vadd.s32 s4, v5;
	v10 =	vadd.s32 s9, v5;
	v11 =	vadd.s32 s4, v1  }
0x24b: {  	s31 =	simm.s32 $0x3;
	v12 =	vadd.s32 s10, v5;
	v13 =	vadd.s32 s9, v1;
	v14 =	vadd.s32 s24, v1  }
0x24c: {  	v15 =	vadd.s32 s24, v5;
	v16 =	vadd.s32 s10, v1;
	v17 =	vadd.s32 s31, v1  }
0x24d: {  	s24 =	simm.s32 $0x2;
	v18 =	vadd.s32 s31, v5;
	s31 =	simm.s32 $0x1;
	vm0 =	vlt.u32 v7, $0xC8;
	v6 =	vshll.u32 v6, $0x8  }
0x24e: {  	v19 =	vadd.s32 s24, v5;
	v20 =	vadd.s32 s24, v1;
	v21 =	vadd.s32 s31, v5  }
0x24f: {  	v22 =	vadd.s32 s31, v1;
	vm1 =	vlt.u32 v11, $0xC8;
	vm2 =	vlt.u32 v16, $0xC8  }
0x250: {  	vm3 =	vlt.u32 v13, $0xC8;
	vm5 =	vlt.u32 v17, $0xC8;
	vm6 =	vlt.u32 v14, $0xC8  }
0x251: {  	v7 =	vsel vm0, v7, v8;
	v6 =	vor.u32 v3, v6;
	vm4 =	vlt.u32 v20, $0xC8  }
0x252: {  	vm14 =	vlt.u32 v22, $0xC8;
	v8 =	vsel vm1, v11, v9;
	v9 =	vsel vm6, v14, v15  }
0x253: {  	v11 =	vsel vm2, v16, v12;
	v10 =	vsel vm3, v13, v10;
	v12 =	vand.u32 $0x7F, v7  }
0x254: {  	v14 =	vsel vm5, v17, v18;
	v7 =	vshll.u32 v7, $0x3;
	v6 =	vand.u32 $0x7800, v6  }
0x255: {  	v13 =	vsel vm4, v20, v19;
	v15 =	vsel vm14, v22, v21;
	v16 =	vand.u32 $0x7F, v8  }
0x256: {  	v17 =	vand.u32 $0x7F, v11;
	v18 =	vand.u32 $0x7F, v10;
	v8 =	vshll.u32 v8, $0x3  }
0x257: {  	v19 =	vand.u32 $0x7F, v9;
	v11 =	vshll.u32 v11, $0x3;
	v10 =	vshll.u32 v10, $0x3  }
0x258: {  	v7 =	vand.u32 $0xFFFFFC00, v7;
	v21 =	vand.u32 $0x7F, v14;
	v9 =	vshll.u32 v9, $0x3  }
0x259: {  	v6 =	vor.u32 v4, v6;
	v20 =	vand.u32 $0x7F, v13;
	v22 =	vand.u32 $0x7F, v15  }
0x25a: {  	v13 =	vshll.u32 v13, $0x3;
	v8 =	vand.u32 $0xFFFFFC00, v8;
	v7 =	vadd.s32 v6, v7  }
0x25b: {  	v11 =	vand.u32 $0xFFFFFC00, v11;
	v10 =	vand.u32 $0xFFFFFC00, v10;
	v7 =	vor.u32 v12, v7  }
0x25c: {  	v9 =	vand.u32 $0xFFFFFC00, v9;
	v8 =	vadd.s32 v6, v8;
	v10 =	vadd.s32 v6, v10  }
0x25d: {  	v13 =	vand.u32 $0xFFFFFC00, v13;
	v11 =	vadd.s32 v6, v11;
	v9 =	vadd.s32 v6, v9  }
0x25e: {  	v12 =	vshll.u32 v14, $0x3;
	v14 =	vshll.u32 v15, $0x3;
	v8 =	vor.u32 v16, v8  }
0x25f: {  	s10 =	simm.s32 $0x8;
	v10 =	vor.u32 v18, v10;
	v11 =	vor.u32 v17, v11;
	v9 =	vor.u32 v19, v9  }
0x260: {  	s24 =	simm.s32 $0xF;
	v13 =	vadd.s32 v6, v13;
	v15 =	vimm.f32 $0.0e+00;
	v16 =	vadd.s32 s10, v1;
	v7 =	vld.idx.msk [tilespmem:v7+s26+$0x0], $0xffff  }
0x261: {  	v17 =	vadd.s32 s10, v5;
	v18 =	vadd.s32 s24, v5;
	v12 =	vand.u32 $0xFFFFFC00, v12  }
0x262: {  	s31 =	simm.s32 $0xE;
	v14 =	vand.u32 $0xFFFFFC00, v14;
	v13 =	vor.u32 v20, v13;
	v12 =	vadd.s32 v6, v12  }
0x263: {  	s10 =	simm.s32 $0xD;
	v19 =	vadd.s32 s31, v5;
	v14 =	vadd.s32 v6, v14;
	v12 =	vor.u32 v21, v12;
	v8 =	vld.idx.msk [tilespmem:v8+s26+$0x0], $0xffff  }
0x264: {  	v20 =	vadd.s32 s24, v1;
	s24 =	simm.s32 $0xC;
	v25 =	vadd.s32 s10, v1;
	v14 =	vor.u32 v22, v14;
	v10 =	vld.idx.msk [tilespmem:v10+s26+$0x0], $0xffff  }
0x265: {  	vm15 =	vlt.u32 v16, $0xC8;
	v23 =	vadd.s32 s24, v1;
	v9 =	vld.idx.msk [tilespmem:v9+s26+$0x0], $0xffff;
	v7 =	vshll.u32 v7, $0x4  }
0x266: {  	v24 =	vadd.s32 s24, v5;
	vm9 =	vlt.u32 v20, $0xC8;
	v11 =	vld.idx.msk [tilespmem:v11+s26+$0x0], $0xffff;
	v7 =	vor.u32 v0, v7  }
0x267: {  	s24 =	simm.s32 $0xA;
	vm10 =	vlt.u32 v25, $0xC8;
	v21 =	vadd.s32 s10, v5;
	v22 =	vadd.s32 s31, v1;
	v13 =	vld.idx.msk [tilespmem:v13+s26+$0x0], $0xffff  }
0x268: {  	s31 =	simm.s32 $0xB;
	v28 =	vadd.s32 s24, v5;
	v29 =	vadd.s32 s24, v1;
	v12 =	vld.idx.msk [tilespmem:v12+s26+$0x0], $0xffff;
	v8 =	vshll.u32 v8, $0x4  }
0x269: {  	v26 =	vadd.s32 s31, v1;
	v14 =	vld.idx.msk [tilespmem:v14+s26+$0x0], $0xffff;
	v10 =	vshll.u32 v10, $0x4;
	v30 =	vor.u32 v0, v8  }
0x26a: {  	v27 =	vadd.s32 s31, v5;
	v9 =	vshll.u32 v9, $0x4;
	v31 =	vor.u32 v0, v10  }
0x26b: {  	vm11 =	vlt.u32 v22, $0xC8;
	vm13 =	vlt.u32 v26, $0xC8;
	v34 =	vor.u32 v0, v9;
	v33 =	vld.idx.msk [tilespmem:v7+s28+$0x0], $0xffff  }
0x26c: {  	v19 =	vsel vm11, v22, v19;
	v8 =	vshll.u32 v11, $0x4;
	v9 =	vshll.u32 v13, $0x4;
	v35 =	vld.idx.msk [tilespmem:v7+s29+$0x0], $0xffff  }
0x26d: {  	v32 =	vor.u32 v0, v8;
	v38 =	vor.u32 v0, v9;
	v8 =	vshll.u32 v12, $0x4;
	v37 =	vld.idx.msk [tilespmem:v7+s30+$0x0], $0xffff  }
0x26e: {  	v22 =	vsel vm13, v26, v27;
	v36 =	vor.u32 v0, v8;
	v8 =	vshll.u32 v14, $0x4;
	v7 =	vld.idx.msk [tilespmem:v30+s28+$0x0], $0xffff  }
0x26f: {  	vm14 =	vlt.u32 v23, $0xC8;
	v43 =	vshll.u32 v22, $0x3;
	v13 =	vor.u32 v0, v8;
	v8 =	vld.idx.msk [tilespmem:v31+s28+$0x0], $0xffff  }
0x270: {  	s31 =	simm.s32 $0x9;
	vm12 =	vlt.u32 v29, $0xC8;
	v61 =	vand.u32 $0xFFFFFC00, v43;
	v12 =	vsel vm9, v20, v18;
	v18 =	vld.idx.msk [tilespmem:v34+s28+$0x0], $0xffff  }
0x271: {  	v10 =	vadd.s32 s31, v5;
	v11 =	vadd.s32 s31, v1;
	v9 =	vsel vm15, v16, v17;
	v45 =	vld.idx.msk [tilespmem:v34+s29+$0x0], $0xffff  }
0x272: {  	vm15 =	vlt.u32 v11, $0xC8;
	v16 =	vsel vm14, v23, v24;
	v17 =	vsel vm10, v25, v21;
	v24 =	vld.idx.msk [tilespmem:v38+s28+$0x0], $0xffff  }
0x273: {  	v21 =	vsel vm12, v29, v28;
	v23 =	vand.u32 $0x7F, v9;
	v25 =	vshll.u32 v9, $0x3;
	v42 =	vld.idx.msk [tilespmem:v38+s29+$0x0], $0xffff  }
0x274: {  	v26 =	vsel vm15, v11, v10;
	v9 =	vand.u32 $0x7F, v17;
	v17 =	vshll.u32 v17, $0x3;
	v27 =	vld.idx.msk [tilespmem:v13+s28+$0x0], $0xffff  }
0x275: {  	v10 =	vand.u32 $0x7F, v21;
	v21 =	vshll.u32 v21, $0x3;
	v28 =	vand.u32 $0x7F, v12;
	v40 =	vld.idx.msk [tilespmem:v13+s29+$0x0], $0xffff  }
0x276: {  	v14 =	vand.u32 $0x7F, v19;
	v29 =	vshll.u32 v12, $0x3;
	v12 =	vand.u32 $0x7F, v16;
	v41 =	vld.idx.msk [tilespmem:v13+s30+$0x0], $0xffff  }
0x277: {  	v19 =	vshll.u32 v19, $0x3;
	v16 =	vshll.u32 v16, $0x3;
	v11 =	vand.u32 $0x7F, v26;
	v38 =	vld.idx.msk [tilespmem:v38+s30+$0x0], $0xffff  }
0x278: {  	v25 =	vand.u32 $0xFFFFFC00, v25;
	v20 =	vld.idx.msk [tilespmem:v36+s28+$0x0], $0xffff;
	v13 =	vand.u32 $0x7F, v22;
	v22 =	vadd.f32 v33, v15  }
0x279: {  	v26 =	vshll.u32 v26, $0x3;
	v59 =	vld.idx.msk [tilespmem:v36+s29+$0x0], $0xffff;
	v35 =	vadd.f32 v35, v15;
	v15 =	vadd.f32 v37, v15  }
0x27a: {  	v60 =	vand.u32 $0xFFFFFC00, v17;
	v44 =	vand.u32 $0xFFFFFC00, v19;
	v36 =	vld.idx.msk [tilespmem:v36+s30+$0x0], $0xffff;
	v17 =	vadd.f32 v27, v22  }
0x27b: {  	v46 =	vand.u32 $0xFFFFFC00, v16;
	v34 =	vld.idx.msk [tilespmem:v34+s30+$0x0], $0xffff;
	v16 =	vadd.f32 v40, v35;
	v19 =	vadd.f32 v41, v15  }
0x27c: {  	v29 =	vand.u32 $0xFFFFFC00, v29;
	v25 =	vadd.s32 v6, v25;
	v39 =	vld.idx.msk [tilespmem:v32+s28+$0x0], $0xffff;
	v24 =	vadd.f32 v24, v17  }
0x27d: {  	v62 =	vadd.s32 v6, v29;
	v15 =	vld.idx.msk [tilespmem:v32+s29+$0x0], $0xffff;
	v27 =	vadd.f32 v42, v16;
	v19 =	vadd.f32 v38, v19  }
0x27e: {  	v22 =	vand.u32 $0xFFFFFC00, v21;
	v21 =	vand.u32 $0xFFFFFC00, v26;
	v17 =	vld.idx.msk [tilespmem:v32+s30+$0x0], $0xffff;
	v20 =	vadd.f32 v20, v24  }
0x27f: {  	v26 =	vor.u32 v23, v25;
	v16 =	vld.idx.msk [tilespmem:v31+s29+$0x0], $0xffff;
	v23 =	vadd.f32 v59, v27;
	v25 =	vadd.f32 v36, v19  }
0x280: {  	v29 =	vadd.s32 v6, v46;
	v28 =	vor.u32 v28, v62;
	v19 =	vld.idx.msk [tilespmem:v31+s30+$0x0], $0xffff;
	v63 =	vadd.f32 v18, v20  }
0x281: {  	v27 =	vadd.s32 v6, v60;
	v18 =	vld.idx.msk [tilespmem:v30+s29+$0x0], $0xffff;
	v24 =	vadd.f32 v45, v23;
	v23 =	vadd.f32 v34, v25  }
0x282: {  	s24 =	simm.s32 $0x10;
	v31 =	vadd.s32 v6, v44;
	v20 =	vld.idx.msk [tilespmem:v30+s30+$0x0], $0xffff;
	v30 =	vadd.s32 v6, v61;
	v25 =	vadd.f32 v39, v63  }
.LBB2_19:
0x283: {  	p0 =	slt.u32 s24, $0xC0;
	v14 =	vor.u32 v14, v31;
	v15 =	vadd.f32 v15, v24;
	v17 =	vadd.f32 v17, v23  }
0x284: {  	v22 =	vadd.s32 v6, v22;
	v9 =	vor.u32 v9, v27;
	v23 =	vld.idx.msk [tilespmem:v26+s26+$0x0], $0xffff;
	v8 =	vadd.f32 v8, v25  }
0x285: {  	v12 =	vor.u32 v12, v29;
	v15 =	vadd.f32 v16, v15;
	v16 =	vadd.f32 v19, v17  }
0x286: {  	v13 =	vor.u32 v13, v30;
	v17 =	vadd.s32 v6, v21;
	v19 =	vadd.f32 v7, v8  }
0x287: {  	v7 =	vor.u32 v10, v22;
	v8 =	vld.idx.msk [tilespmem:v28+s26+$0x0], $0xffff;
	v15 =	vadd.f32 v18, v15;
	v16 =	vadd.f32 v20, v16  }
0x288: {  	s4 =	sadd.s32 $0x7, s24;
	v10 =	vor.u32 v11, v17;
	v11 =	vld.idx.msk [tilespmem:v14+s26+$0x0], $0xffff  }
0x289: {  	s9 =	sadd.s32 $0x6, s24;
	v17 =	vadd.s32 s24, v5;
	v18 =	vadd.s32 s4, v5;
	v14 =	vadd.s32 s24, v1;
	v9 =	vld.idx.msk [tilespmem:v9+s26+$0x0], $0xffff  }
0x28a: {  	s10 =	sadd.s32 $0x5, s24;
	v21 =	vadd.s32 s4, v1;
	v20 =	vadd.s32 s9, v5;
	v22 =	vshll.u32 v23, $0x4;
	v12 =	vld.idx.msk [tilespmem:v12+s26+$0x0], $0xffff  }
0x28b: {  	v24 =	vadd.s32 s9, v1;
	s4 =	sadd.s32 $0x4, s24;
	v23 =	vadd.s32 s10, v5;
	v22 =	vor.u32 v0, v22;
	v13 =	vld.idx.msk [tilespmem:v13+s26+$0x0], $0xffff  }
0x28c: {  	v27 =	vadd.s32 s10, v1;
	s9 =	sadd.s32 $0x3, s24;
	v25 =	vadd.s32 s4, v1;
	v26 =	vadd.s32 s4, v5;
	v7 =	vld.idx.msk [tilespmem:v7+s26+$0x0], $0xffff  }
0x28d: {  	s4 =	sadd.s32 $0x2, s24;
	v28 =	vadd.s32 s9, v1;
	v29 =	vadd.s32 s9, v5;
	v8 =	vshll.u32 v8, $0x4;
	v10 =	vld.idx.msk [tilespmem:v10+s26+$0x0], $0xffff  }
0x28e: {  	v30 =	vadd.s32 s4, v5;
	v11 =	vshll.u32 v11, $0x4;
	v32 =	vor.u32 v0, v8  }
0x28f: {  	s9 =	sadd.s32 $0x1, s24;
	v31 =	vadd.s32 s4, v1;
	v8 =	vshll.u32 v9, $0x4;
	v33 =	vor.u32 v0, v11  }
0x290: {  	v9 =	vadd.s32 s9, v5;
	v11 =	vshll.u32 v12, $0x4;
	v35 =	vor.u32 v0, v8;
	v34 =	vld.idx.msk [tilespmem:v22+s28+$0x0], $0xffff  }
0x291: {  	v12 =	vadd.s32 s9, v1;
	v8 =	vshll.u32 v13, $0x4;
	v37 =	vor.u32 v0, v11;
	v36 =	vld.idx.msk [tilespmem:v22+s29+$0x0], $0xffff  }
0x292: {  	vm0 =	vlt.u32 v14, $0xC8;
	v7 =	vshll.u32 v7, $0x4;
	v38 =	vor.u32 v0, v8;
	v22 =	vld.idx.msk [tilespmem:v22+s30+$0x0], $0xffff  }
0x293: {  	vm1 =	vlt.u32 v21, $0xC8;
	v8 =	vshll.u32 v10, $0x4;
	v39 =	vor.u32 v0, v7;
	v7 =	vld.idx.msk [tilespmem:v32+s28+$0x0], $0xffff  }
0x294: {  	vm2 =	vlt.u32 v27, $0xC8;
	vm3 =	vlt.u32 v24, $0xC8;
	v10 =	vor.u32 v0, v8;
	v8 =	vld.idx.msk [tilespmem:v33+s28+$0x0], $0xffff  }
0x295: {  	vm5 =	vlt.u32 v28, $0xC8;
	vm6 =	vlt.u32 v25, $0xC8;
	vm4 =	vlt.u32 v31, $0xC8;
	v40 =	vld.idx.msk [tilespmem:v35+s28+$0x0], $0xffff  }
0x296: {  	v11 =	vsel vm0, v14, v17;
	vm0 =	vlt.u32 v12, $0xC8;
	v13 =	vsel vm1, v21, v18;
	v18 =	vld.idx.msk [tilespmem:v37+s28+$0x0], $0xffff  }
0x297: {  	v20 =	vsel vm3, v24, v20;
	v17 =	vsel vm6, v25, v26;
	v21 =	vsel vm2, v27, v23;
	v23 =	vld.idx.msk [tilespmem:v38+s28+$0x0], $0xffff  }
0x298: {  	v25 =	vsel vm4, v31, v30;
	v26 =	vsel vm5, v28, v29;
	v24 =	vand.u32 $0x7F, v11;
	v27 =	vld.idx.msk [tilespmem:v39+s28+$0x0], $0xffff  }
0x299: {  	v28 =	vshll.u32 v11, $0x3;
	v29 =	vsel vm0, v12, v9;
	v41 =	vand.u32 $0x7F, v13;
	v30 =	vld.idx.msk [tilespmem:v10+s28+$0x0], $0xffff  }
0x29a: {  	v14 =	vand.u32 $0x7F, v20;
	v9 =	vand.u32 $0x7F, v21;
	v31 =	vshll.u32 v13, $0x3;
	v42 =	vld.idx.msk [tilespmem:v10+s29+$0x0], $0xffff  }
0x29b: {  	v20 =	vshll.u32 v20, $0x3;
	v12 =	vand.u32 $0x7F, v17;
	v21 =	vshll.u32 v21, $0x3;
	v43 =	vld.idx.msk [tilespmem:v10+s30+$0x0], $0xffff  }
0x29c: {  	v13 =	vand.u32 $0x7F, v26;
	v17 =	vshll.u32 v17, $0x3;
	v10 =	vand.u32 $0x7F, v25;
	v44 =	vld.idx.msk [tilespmem:v39+s29+$0x0], $0xffff  }
0x29d: {  	v26 =	vshll.u32 v26, $0x3;
	v11 =	vand.u32 $0x7F, v29;
	v25 =	vshll.u32 v25, $0x3;
	v39 =	vld.idx.msk [tilespmem:v39+s30+$0x0], $0xffff  }
0x29e: {  	v28 =	vand.u32 $0xFFFFFC00, v28;
	v29 =	vshll.u32 v29, $0x3;
	v19 =	vadd.f32 v34, v19;
	v34 =	vld.idx.msk [tilespmem:v38+s29+$0x0], $0xffff  }
0x29f: {  	v31 =	vand.u32 $0xFFFFFC00, v31;
	v15 =	vadd.f32 v36, v15;
	v16 =	vadd.f32 v22, v16;
	v36 =	vld.idx.msk [tilespmem:v38+s30+$0x0], $0xffff  }
0x2a0: {  	v20 =	vand.u32 $0xFFFFFC00, v20;
	v19 =	vadd.f32 v30, v19;
	v38 =	vand.u32 $0xFFFFFC00, v21;
	v30 =	vld.idx.msk [tilespmem:v37+s29+$0x0], $0xffff  }
0x2a1: {  	v45 =	vand.u32 $0xFFFFFC00, v17;
	v17 =	vadd.f32 v42, v15;
	v16 =	vadd.f32 v43, v16;
	v37 =	vld.idx.msk [tilespmem:v37+s30+$0x0], $0xffff  }
0x2a2: {  	v22 =	vand.u32 $0xFFFFFC00, v25;
	v25 =	vand.u32 $0xFFFFFC00, v26;
	v19 =	vadd.f32 v27, v19;
	v15 =	vld.idx.msk [tilespmem:v35+s29+$0x0], $0xffff  }
0x2a3: {  	v21 =	vand.u32 $0xFFFFFC00, v29;
	v27 =	vadd.f32 v44, v17;
	v29 =	vadd.f32 v39, v16;
	v17 =	vld.idx.msk [tilespmem:v35+s30+$0x0], $0xffff  }
.Ltmp8:
0x2a4: {  	v26 =	vadd.s32 v6, v28;
	v28 =	vadd.s32 v6, v31;
	v23 =	vadd.f32 v23, v19;
	v16 =	vld.idx.msk [tilespmem:v33+s29+$0x0], $0xffff;
	(pc) =	sbr.rel @p0 .LBB2_19-.Ltmp8, $4  }
0x2a5: {  	v26 =	vor.u32 v24, v26;
	v24 =	vadd.f32 v34, v27;
	v34 =	vadd.f32 v36, v29;
	v19 =	vld.idx.msk [tilespmem:v33+s30+$0x0], $0xffff  }
0x2a6: {  	v31 =	vadd.s32 v6, v20;
	v27 =	vadd.s32 v6, v38;
	v33 =	vadd.f32 v18, v23;
	v18 =	vld.idx.msk [tilespmem:v32+s29+$0x0], $0xffff  }
0x2a7: {  	v29 =	vadd.s32 v6, v45;
	v24 =	vadd.f32 v30, v24;
	v23 =	vadd.f32 v37, v34;
	v20 =	vld.idx.msk [tilespmem:v32+s30+$0x0], $0xffff  }
0x2a8: {  	s24 =	sadd.s32 $0x8, s24;
	v28 =	vor.u32 v41, v28;
	v30 =	vadd.s32 v6, v25;
	v25 =	vadd.f32 v40, v33  }
0x2a9: {  	_ =	sdelay $0x2  }
0x2aa: {  	v14 =	vor.u32 v14, v31  }
0x2ab: {  	v26 =	vld.idx.msk [tilespmem:v26+s26+$0x0], $0xffff;
	v9 =	vor.u32 v9, v27  }
0x2ac: {  	v12 =	vor.u32 v12, v29  }
0x2ad: {  	v22 =	vadd.s32 v6, v22;
	v13 =	vor.u32 v13, v30  }
0x2ae: {  	v6 =	vadd.s32 v6, v21;
	v44 =	vld.idx.msk [tilespmem:v28+s26+$0x0], $0xffff;
	v10 =	vor.u32 v10, v22  }
0x2af: {  	v6 =	vor.u32 v11, v6;
	v45 =	vld.idx.msk [tilespmem:v14+s26+$0x0], $0xffff  }
0x2b0: {  	v9 =	vld.idx.msk [tilespmem:v9+s26+$0x0], $0xffff;
	v46 =	vshll.u32 v26, $0x4  }
0x2b1: {  	v12 =	vld.idx.msk [tilespmem:v12+s26+$0x0], $0xffff;
	v14 =	vor.u32 v0, v46  }
0x2b2: {  	v13 =	vld.idx.msk [tilespmem:v13+s26+$0x0], $0xffff  }
0x2b3: {  	v21 =	vshll.u32 v44, $0x4;
	v10 =	vld.idx.msk [tilespmem:v10+s26+$0x0], $0xffff  }
0x2b4: {  	v6 =	vld.idx.msk [tilespmem:v6+s26+$0x0], $0xffff;
	v21 =	vor.u32 v0, v21;
	v11 =	vshll.u32 v45, $0x4  }
0x2b5: {  	v9 =	vshll.u32 v9, $0x4;
	v11 =	vor.u32 v0, v11  }
0x2b6: {  	v12 =	vshll.u32 v12, $0x4;
	v47 =	vld.idx.msk [tilespmem:v14+s28+$0x0], $0xffff;
	v9 =	vor.u32 v0, v9  }
0x2b7: {  	v13 =	vshll.u32 v13, $0x4;
	v48 =	vld.idx.msk [tilespmem:v14+s29+$0x0], $0xffff;
	v12 =	vor.u32 v0, v12  }
0x2b8: {  	v14 =	vld.idx.msk [tilespmem:v14+s30+$0x0], $0xffff;
	v10 =	vshll.u32 v10, $0x4;
	v13 =	vor.u32 v0, v13  }
0x2b9: {  	v6 =	vshll.u32 v6, $0x4;
	v49 =	vld.idx.msk [tilespmem:v21+s28+$0x0], $0xffff;
	v10 =	vor.u32 v0, v10  }
0x2ba: {  	v6 =	vor.u32 v0, v6;
	v50 =	vld.idx.msk [tilespmem:v11+s28+$0x0], $0xffff  }
0x2bb: {  	v51 =	vld.idx.msk [tilespmem:v9+s28+$0x0], $0xffff  }
0x2bc: {  	v52 =	vld.idx.msk [tilespmem:v12+s28+$0x0], $0xffff  }
0x2bd: {  	v15 =	vadd.f32 v15, v24;
	v53 =	vld.idx.msk [tilespmem:v13+s28+$0x0], $0xffff  }
0x2be: {  	v17 =	vadd.f32 v17, v23;
	v8 =	vadd.f32 v8, v25;
	v54 =	vld.idx.msk [tilespmem:v10+s28+$0x0], $0xffff  }
0x2bf: {  	v15 =	vadd.f32 v16, v15;
	v55 =	vld.idx.msk [tilespmem:v6+s28+$0x0], $0xffff  }
0x2c0: {  	v17 =	vadd.f32 v19, v17;
	v7 =	vadd.f32 v7, v8;
	v56 =	vld.idx.msk [tilespmem:v6+s29+$0x0], $0xffff  }
0x2c1: {  	v15 =	vadd.f32 v18, v15;
	v6 =	vld.idx.msk [tilespmem:v6+s30+$0x0], $0xffff  }
0x2c2: {  	v17 =	vadd.f32 v20, v17;
	v7 =	vadd.f32 v47, v7;
	v57 =	vld.idx.msk [tilespmem:v10+s29+$0x0], $0xffff  }
0x2c3: {  	v15 =	vadd.f32 v48, v15;
	v10 =	vld.idx.msk [tilespmem:v10+s30+$0x0], $0xffff  }
0x2c4: {  	v58 =	vld.idx.msk [tilespmem:v13+s29+$0x0], $0xffff;
	v14 =	vadd.f32 v14, v17;
	v7 =	vadd.f32 v55, v7  }
0x2c5: {  	v13 =	vld.idx.msk [tilespmem:v13+s30+$0x0], $0xffff;
	v8 =	vadd.f32 v56, v15  }
0x2c6: {  	v59 =	vld.idx.msk [tilespmem:v12+s29+$0x0], $0xffff;
	v6 =	vadd.f32 v6, v14;
	v7 =	vadd.f32 v54, v7  }
0x2c7: {  	v12 =	vld.idx.msk [tilespmem:v12+s30+$0x0], $0xffff;
	v8 =	vadd.f32 v57, v8  }
0x2c8: {  	v60 =	vld.idx.msk [tilespmem:v9+s29+$0x0], $0xffff;
	v6 =	vadd.f32 v10, v6;
	v7 =	vadd.f32 v53, v7  }
0x2c9: {  	v9 =	vld.idx.msk [tilespmem:v9+s30+$0x0], $0xffff;
	v8 =	vadd.f32 v58, v8  }
0x2ca: {  	v61 =	vld.idx.msk [tilespmem:v11+s29+$0x0], $0xffff;
	v6 =	vadd.f32 v13, v6;
	v7 =	vadd.f32 v52, v7  }
0x2cb: {  	v11 =	vld.idx.msk [tilespmem:v11+s30+$0x0], $0xffff;
	v8 =	vadd.f32 v59, v8  }
0x2cc: {  	v62 =	vld.idx.msk [tilespmem:v21+s29+$0x0], $0xffff;
	v6 =	vadd.f32 v12, v6;
	v7 =	vadd.f32 v51, v7  }
0x2cd: {  	v63 =	vld.idx.msk [tilespmem:v21+s30+$0x0], $0xffff;
	v8 =	vadd.f32 v60, v8  }
0x2ce: {  	s7 =	sadd.s32 $0x1, s7;
	v6 =	vadd.f32 v9, v6;
	v7 =	vadd.f32 v50, v7  }
0x2cf: {  	p0 =	sne.s32 s7, $0x8;
	v8 =	vadd.f32 v61, v8  }
.Ltmp9:
0x2d0: {  	v6 =	vadd.f32 v11, v6;
	v7 =	vadd.f32 v49, v7;
	(pc) =	sbr.rel @p0 .LBB2_18-.Ltmp9, $4  }
0x2d1: {  	v8 =	vadd.f32 v62, v8  }
0x2d2: {  	v6 =	vadd.f32 v63, v6;
	[tilespmem:s8+$0x10080] =	vst v7  }
0x2d3: {  	[tilespmem:s8+$0x10180] =	vst v8  }
0x2d4: {  	[tilespmem:s8+$0x10280] =	vst v6  }
0x2d5: {  	s3 =	simm.s32 $0x10080  }
0x2d6: {  	[hbm4b:s18+s2] =	stream.linear.scatter [tilespmem:s3], [sflag:$0x4], $0x80, $0x38;
	[tilespmem:$0x12100] =	vst v63  }
0x2d7: {  	s24 =	simm.s32 $0x10180  }
0x2d8: {  	[hbm4b:s19+s2] =	stream.linear.scatter [tilespmem:s24], [sflag:$0x4], $0x80, $0x38;
	[tilespmem:$0x12100] =	vst v63  }
0x2d9: {  	s31 =	simm.s32 $0x10280  }
0x2da: {  	[hbm4b:s20+s2] =	stream.linear.scatter [tilespmem:s31], [sflag:$0x4], $0x80, $0x38;
	[tilespmem:$0x12100] =	vst v63  }
0x2db: {  	_ =	swait.ge [sflag:s5], $0x80  }
0x2dc: {  	[sflag:s5] =	ssyncset.done $0x0  }
0x2dd: {  	[sflag:s5] =	ssyncadd.s32 $0xFFFFFF80  }
0x2de: {  	_ =	swait.ge [sflag:s5], $0x80  }
0x2df: {  	[sflag:s5] =	ssyncset.done $0x0  }
0x2e0: {  	[sflag:s5] =	ssyncadd.s32 $0xFFFFFF80  }
0x2e1: {  	_ =	swait.ge [sflag:s5], $0x80  }
0x2e2: {  	[sflag:s5] =	ssyncset.done $0x0  }
0x2e3: {  	[sflag:s5] =	ssyncadd.s32 $0xFFFFFF80  }
0x2e4: {  	_ =	swait.ge [sflag:s0], $0x80  }
0x2e5: {  	[sflag:s0] =	ssyncset.done $0x0  }
0x2e6: {  	s6 =	sadd.s32 $0x1, s6;
	[sflag:s0] =	ssyncadd.s32 $0xFFFFFF80  }
0x2e7: {  	p0 =	sne.s32 s6, s21;
	_ =	swait.ge [sflag:s0], $0x80  }
.Ltmp10:
0x2e8: {  	[sflag:s0] =	ssyncset.done $0x0;
	(pc) =	sbr.rel @p0 .LBB2_1-.Ltmp10, $4  }
0x2e9: {  	[sflag:s0] =	ssyncadd.s32 $0xFFFFFF80  }
0x2ea: {  	_ =	swait.ge [sflag:s0], $0x80  }
0x2eb: {  	[sflag:s0] =	ssyncset.done $0x0  }
0x2ec: {  	[sflag:s0] =	ssyncadd.s32 $0xFFFFFF80  }
0x2ed: {  	_ =	sfence.sel $0x180000  }
0x2ee: {  	[bflag:$0x0] =	sbarrier.arrive $0xFFFF  }
0x2ef: {  	_ =	strace $0x90000047  }
0x2f0: {  	s0 =	stileid.u32;
	[bflag:$0x2] =	sbarrier.arrive $0xFFFF  }
0x2f1: {  	p0 =	sne.s32 s0, $0x0;
	s0 =	rddreg [dreg:$0x2]  }
0x2f2: {  	s0 =	sadd.s32 @!p0 $0x100000, s0  }
0x2f3: {  	[sflag:s0] =	ssyncadd.tile.s32 @!p0 $0x1;
	_ =	shalt  }
.Lfunc_end2:
_tile_overlayer_lowered:
.L_overlay_start_2:
0x2f4: {  	(tag) =	ssettag $0x2  }
0x2f5: {  	s0 =	rddreg [dreg:$0x0];
	s2 =	stileid.u32  }
0x2f6: {  	s1 =	rddreg [dreg:$0x1];
	p0 =	sne.s32 s2, $0x0  }
0x2f7: {  	s3 =	rddreg [dreg:$0x2];
	[bflag:$0x3] =	sbarrier.arrive $0xFFFF;
	s2 =	simm.s32 @!p0 $0x1C05  }
0x2f8: {  	[timem:s3], [sflag:s2] =	dma.local @!p0 [hbm:s0], s1  }
0x2f9: {  	s0 =	simm.s32 @!p0 $0x5  }
0x2fa: {  	_ =	swait.ge @!p0 [sflag:s0], s1  }
0x2fb: {  	s1 =	ssub.s32 @!p0 $0x0, s1;
	[sflag:s0] =	ssyncset.done @!p0 $0x0  }
0x2fc: {  	[sflag:s0] =	ssyncadd.s32 @!p0 s1  }
0x2fd: {  	[bflag:$0x3] =	sbarrier.arrive $0xFFFF  }
0x2fe: {  	_ =	shalt  }

</sc_bundles>
